<compile_context>
chip_gen: v7x
topology: tpu7x:2x2x1
jax: 0.10.2.dev20260603
libtpu: 0.0.44.dev20260713+nightly
codegen_flags: <defaults>
</compile_context>

<pallas_src>
import functools

import jax
import jax.numpy as jnp
from jax import lax
from jax.experimental import pallas as pl
from jax.experimental.pallas import tpu as pltpu
from jax.experimental.pallas import tpu_sc as plsc

N_NODES = 10000
N_EDGES = 320000
D = 128
DEG_W = 16
NPAD = 10240

NC = 2
NS = 16
NW = NC * NS
CH = 64
NCH = 160
E_PADDED = NW * NCH * CH
SB = 40
NSB = NCH // SB
RPS = NPAD // NS
ZC = 64


def _sc_body(x_hbm, i_hbm, j_hbm, dummy_hbm, acc_out, deg_out,
             acc, degx, iv, jv, bufa, bufb, ones_v,
             sga, sgb, ssa, ssb, sda, sdb):
    c = lax.axis_index("c")
    s = lax.axis_index("s")
    wid = c * NS + s

    @pl.loop(0, CH)
    def _(r):
        @pl.loop(0, D, step=16)
        def _(t):
            bufa[r, pl.ds(t, 16)] = jnp.zeros((16,), jnp.float32)
        ones_v[r, pl.ds(0, 16)] = jnp.zeros((16,), jnp.float32)

    @pl.loop(0, RPS, step=ZC)
    def _(r0):
        pltpu.async_copy(bufa, acc.at[pl.ds(s * RPS + r0, ZC), :], ssa)
        pltpu.async_copy(ones_v, degx.at[pl.ds(s * RPS + r0, ZC), :], sda)

    @pl.loop(0, RPS, step=ZC)
    def _(r0):
        pltpu.make_async_copy(bufa, acc.at[pl.ds(0, ZC), :], ssa).wait()
        pltpu.make_async_copy(ones_v, degx.at[pl.ds(0, ZC), :], sda).wait()

    @pl.loop(0, CH)
    def _(r):
        ones_v[r, pl.ds(0, 16)] = jnp.ones((16,), jnp.float32)

    plsc.subcore_barrier()

    @pl.loop(0, NSB)
    def _(sb):
        pltpu.sync_copy(i_hbm.at[wid, pl.ds(sb * SB, SB), :], iv)
        pltpu.sync_copy(j_hbm.at[wid, pl.ds(sb * SB, SB), :], jv)

        pltpu.async_copy(x_hbm.at[jv.at[0]], bufa, sga)
        pltpu.async_copy(x_hbm.at[jv.at[1]], bufb, sgb)

        @pl.loop(0, SB, step=2)
        def _(kk):
            pltpu.make_async_copy(dummy_hbm, bufa, sga).wait()
            pltpu.async_copy(bufa, acc.at[iv.at[kk]], ssa, add=True)
            pltpu.async_copy(ones_v, degx.at[iv.at[kk]], sda, add=True)

            @pl.when(kk + 2 < SB)
            def _():
                pltpu.make_async_copy(bufa, acc.at[pl.ds(0, CH), :], ssa).wait()
                pltpu.make_async_copy(ones_v, degx.at[pl.ds(0, CH), :], sda).wait()
                pltpu.async_copy(x_hbm.at[jv.at[kk + 2]], bufa, sga)

            pltpu.make_async_copy(dummy_hbm, bufb, sgb).wait()
            pltpu.async_copy(bufb, acc.at[iv.at[kk + 1]], ssb, add=True)
            pltpu.async_copy(ones_v, degx.at[iv.at[kk + 1]], sdb, add=True)

            @pl.when(kk + 3 < SB)
            def _():
                pltpu.make_async_copy(bufb, acc.at[pl.ds(0, CH), :], ssb).wait()
                pltpu.make_async_copy(ones_v, degx.at[pl.ds(0, CH), :], sdb).wait()
                pltpu.async_copy(x_hbm.at[jv.at[kk + 3]], bufb, sgb)

        pltpu.make_async_copy(bufa, acc.at[pl.ds(0, CH), :], ssa).wait()
        pltpu.make_async_copy(ones_v, degx.at[pl.ds(0, CH), :], sda).wait()
        pltpu.make_async_copy(bufb, acc.at[pl.ds(0, CH), :], ssb).wait()
        pltpu.make_async_copy(ones_v, degx.at[pl.ds(0, CH), :], sdb).wait()

    plsc.subcore_barrier()

    pltpu.sync_copy(acc.at[pl.ds(s * RPS, RPS), :],
                    acc_out.at[c, pl.ds(s * RPS, RPS), :])
    pltpu.sync_copy(degx.at[pl.ds(s * RPS, RPS), :],
                    deg_out.at[c, pl.ds(s * RPS, RPS), :])


@functools.lru_cache(maxsize=1)
def _sc_aggregate():
    mesh = plsc.VectorSubcoreMesh(
        core_axis_name="c", subcore_axis_name="s", num_cores=NC, num_subcores=NS
    )
    return pl.kernel(
        _sc_body,
        out_type=(
            jax.ShapeDtypeStruct((NC, NPAD, D), jnp.float32),
            jax.ShapeDtypeStruct((NC, NPAD, DEG_W), jnp.float32),
        ),
        mesh=mesh,
        scratch_types=[
            pltpu.VMEM_SHARED((NPAD, D), jnp.float32),
            pltpu.VMEM_SHARED((NPAD, DEG_W), jnp.float32),
            pltpu.VMEM((SB, CH), jnp.int32),
            pltpu.VMEM((SB, CH), jnp.int32),
            pltpu.VMEM((CH, D), jnp.float32),
            pltpu.VMEM((CH, D), jnp.float32),
            pltpu.VMEM((CH, DEG_W), jnp.float32),
            pltpu.SemaphoreType.DMA,
            pltpu.SemaphoreType.DMA,
            pltpu.SemaphoreType.DMA,
            pltpu.SemaphoreType.DMA,
            pltpu.SemaphoreType.DMA,
            pltpu.SemaphoreType.DMA,
        ],
        compiler_params=pltpu.CompilerParams(use_tc_tiling_on_sc=False),
    )


_TC_R = 1000


def _tc_xw_body(x_ref, w1_ref, b_ref, o_ref):
    o_ref[...] = jnp.dot(x_ref[...], w1_ref[...],
                         preferred_element_type=jnp.float32,
                         precision=jax.lax.Precision.HIGHEST) + b_ref[...]


_tc_xw = pl.pallas_call(
    _tc_xw_body,
    grid=(N_NODES // _TC_R,),
    in_specs=[
        pl.BlockSpec((_TC_R, D), lambda i: (i, 0)),
        pl.BlockSpec((D, D), lambda i: (0, 0)),
        pl.BlockSpec((1, D), lambda i: (0, 0)),
    ],
    out_specs=pl.BlockSpec((_TC_R, D), lambda i: (i, 0)),
    out_shape=jax.ShapeDtypeStruct((N_NODES, D), jnp.float32),
)


def _tc_body(y1_ref, p_ref, dg_ref, w2_ref, g_ref, be_ref, o_ref):
    p = p_ref[0] + p_ref[1]
    deg = dg_ref[0, :, 0] + dg_ref[1, :, 0]
    deg = jnp.maximum(deg, 1.0)
    agg = p / deg[:, None]
    y = y1_ref[...] + jnp.dot(agg, w2_ref[...],
                              preferred_element_type=jnp.float32,
                              precision=jax.lax.Precision.HIGHEST)
    y = jnp.maximum(y, 0.0)
    mu = jnp.mean(y, axis=1, keepdims=True)
    yc = y - mu
    var = jnp.mean(yc * yc, axis=1, keepdims=True)
    o_ref[...] = yc * lax.rsqrt(var + 1e-5) * g_ref[...] + be_ref[...]


_tc_finish = pl.pallas_call(
    _tc_body,
    grid=(N_NODES // _TC_R,),
    in_specs=[
        pl.BlockSpec((_TC_R, D), lambda i: (i, 0)),
        pl.BlockSpec((NC, _TC_R, D), lambda i: (0, i, 0)),
        pl.BlockSpec((NC, _TC_R, DEG_W), lambda i: (0, i, 0)),
        pl.BlockSpec((D, D), lambda i: (0, 0)),
        pl.BlockSpec((1, D), lambda i: (0, 0)),
        pl.BlockSpec((1, D), lambda i: (0, 0)),
    ],
    out_specs=pl.BlockSpec((_TC_R, D), lambda i: (i, 0)),
    out_shape=jax.ShapeDtypeStruct((N_NODES, D), jnp.float32),
)


def kernel(x, edge_index, W, b, gamma, beta):
    n_fill = E_PADDED - N_EDGES
    pad_i = N_NODES + (jnp.arange(n_fill, dtype=jnp.int32) % (NPAD - N_NODES))
    pad_j = jnp.arange(n_fill, dtype=jnp.int32) % N_NODES
    i_arr = jnp.concatenate([edge_index[0], pad_i]).reshape(NW, NCH, CH)
    j_arr = jnp.concatenate([edge_index[1], pad_j]).reshape(NW, NCH, CH)
    dummy = x[:CH]
    acc_p, deg_p = _sc_aggregate()(x, i_arr, j_arr, dummy)
    wt = W.T
    y1 = _tc_xw(x, wt[:D], b.reshape(1, D))
    return _tc_finish(
        y1, acc_p, deg_p, wt[D:],
        gamma.reshape(1, D), beta.reshape(1, D),
    )

# --- scband reference (transcript-rebuilt; emitter-appended) ---
"""Pipeline reference for scband-graph-sagelayer-28613072126846 (READ-ONLY COPY).

The authoritative reference and input builder live on the scoring server;
editing this copy changes nothing except your own understanding.
"""

import jax, jax.numpy as jnp
import numpy as np

N_NODES = 10000
N_EDGES = 320000
D_IN = 128
D_OUT = 128


def setup_inputs(seed: int = 0) -> dict:
    key = jax.random.key(seed)
    k1, k2, k3, k4, k5, k6 = jax.random.split(key, 6)
    x = jax.random.normal(k1, (N_NODES, D_IN), dtype=jnp.float32)
    edge_index = jax.random.randint(k2, (2, N_EDGES), 0, N_NODES, dtype=jnp.int32)
    # nn.Linear(in_dim * 2, out_dim): weight [out, 2*in], bias [out]
    bound = 1.0 / np.sqrt(2 * D_IN)
    W = jax.random.uniform(k3, (D_OUT, 2 * D_IN), dtype=jnp.float32, minval=-bound, maxval=bound)
    b = jax.random.uniform(k4, (D_OUT,), dtype=jnp.float32, minval=-bound, maxval=bound)
    # nn.LayerNorm(out_dim)
    gamma = jnp.ones((D_OUT,), dtype=jnp.float32)
    beta = jnp.zeros((D_OUT,), dtype=jnp.float32)
    return {"x": x, "edge_index": edge_index, "W": W, "b": b, "gamma": gamma, "beta": beta}


def reference(x, edge_index, W, b, gamma, beta):
    i = edge_index[0]
    j = edge_index[1]
    # mean aggregation (agg='mean'):
    deg = jnp.zeros((x.shape[0],), dtype=x.dtype).at[i].add(jnp.ones_like(i, dtype=x.dtype))
    agg = jnp.zeros_like(x).at[i].add(x[j])
    deg = jnp.clip(deg, 1.0, None)[:, None]
    agg = agg / deg
    h = jnp.concatenate([x, agg], axis=-1)
    out = h @ W.T + b
    out = jax.nn.relu(out)
    # dropout p=0.0 -> identity
    mu = jnp.mean(out, axis=-1, keepdims=True)
    var = jnp.var(out, axis=-1, keepdims=True)
    out = (out - mu) / jnp.sqrt(var + 1e-5) * gamma + beta
    return out

if __name__ == "__main__":
    import jax
    _d = setup_inputs()
    print(jax.jit(kernel)(*tuple(_d.values())))

</pallas_src>

<mosaic_0001>
#map = affine_map<(d0, d1) -> (0, 0)>
#map1 = affine_map<(d0, d1) -> (0, 0, 0)>
module attributes {stable_mosaic.version = 14 : i64} {
  func.func @_sc_body(%arg0: i32, %arg1: i32, %arg2: memref<10000x128xf32, #tpu.memory_space<hbm>>, %arg3: memref<32x160x64xi32, #tpu.memory_space<hbm>>, %arg4: memref<32x160x64xi32, #tpu.memory_space<hbm>>, %arg5: memref<64x128xf32, #tpu.memory_space<hbm>>, %arg6: memref<2x10240x128xf32, #tpu.memory_space<hbm>>, %arg7: memref<2x10240x16xf32, #tpu.memory_space<hbm>>, %arg8: memref<10240x128xf32, #tpu.memory_space<vmem_shared>>, %arg9: memref<10240x16xf32, #tpu.memory_space<vmem_shared>>, %arg10: memref<40x64xi32, #tpu.memory_space<vmem>>, %arg11: memref<40x64xi32, #tpu.memory_space<vmem>>, %arg12: memref<64x128xf32, #tpu.memory_space<vmem>>, %arg13: memref<64x128xf32, #tpu.memory_space<vmem>>, %arg14: memref<64x16xf32, #tpu.memory_space<vmem>>, %arg15: memref<!tpu.dma_semaphore, #tpu.memory_space<semaphore_mem>>, %arg16: memref<!tpu.dma_semaphore, #tpu.memory_space<semaphore_mem>>, %arg17: memref<!tpu.dma_semaphore, #tpu.memory_space<semaphore_mem>>, %arg18: memref<!tpu.dma_semaphore, #tpu.memory_space<semaphore_mem>>, %arg19: memref<!tpu.dma_semaphore, #tpu.memory_space<semaphore_mem>>, %arg20: memref<!tpu.dma_semaphore, #tpu.memory_space<semaphore_mem>>) attributes {dimension_semantics = [#tpu.dimension_semantics<core_parallel>, #tpu.dimension_semantics<subcore_parallel>], iteration_bounds = array<i64: 2, 16>, scalar_prefetch = 0 : i64, scratch_operands = 13 : i64, tpu.core_type = #tpu.core_type<sc_vector_subcore>, window_params = [{transform_indices = #map}, {transform_indices = #map1}, {transform_indices = #map1}, {transform_indices = #map}, {transform_indices = #map1}, {transform_indices = #map1}]} {
    %mul3A = arith.constant 16 : i32
    %mul3A_0 = arith.muli %arg0, %mul3A : i32
    %add3A = arith.addi %mul3A_0, %arg1 : i32
    %scan3A = arith.constant 0 : i32
    %scan3A_1 = arith.constant 64 : i32
    %scan3A_2 = arith.addi %scan3A, %scan3A_1 : i32
    %scan3A_3 = arith.constant 1 : i32
    scf.for %scan3A_34 = %scan3A to %scan3A_2 step %scan3A_3  : i32 {
      %mul3A_35 = arith.constant 1 : i32
      %mul3A_36 = arith.muli %scan3A_34, %mul3A_35 : i32
      %add3A_37 = arith.constant 0 : i32
      %add3A_38 = arith.addi %add3A_37, %mul3A_36 : i32
      %scan3A_39 = arith.constant 0 : i32
      %scan3A_40 = arith.constant 8 : i32
      %scan3A_41 = arith.addi %scan3A_39, %scan3A_40 : i32
      %scan3A_42 = arith.constant 1 : i32
      scf.for %scan3A_49 = %scan3A_39 to %scan3A_41 step %scan3A_42  : i32 {
        %mul3A_50 = arith.constant 16 : i32
        %mul3A_51 = arith.muli %scan3A_49, %mul3A_50 : i32
        %add3A_52 = arith.constant 0 : i32
        %add3A_53 = arith.addi %add3A_52, %mul3A_51 : i32
        %broadcast_in_dim3A_54 = arith.constant 0.000000e+00 : f32
        %broadcast_in_dim3A_55 = vector.broadcast %broadcast_in_dim3A_54 : f32 to vector<16xf32>
        %swap3A_56 = arith.index_cast %add3A_38 : i32 to index
        %swap3A_57 = arith.index_cast %add3A_53 : i32 to index
        %swap3A_58 = tpu.vector_load %arg12[%swap3A_56, %swap3A_57] {strides = array<i32>} : memref<64x128xf32, #tpu.memory_space<vmem>>, vector<1x16xf32>,
        %swap3A_59 = vector.shape_cast %swap3A_58 : vector<1x16xf32> to vector<16xf32>
        %swap3A_60 = vector.shape_cast %broadcast_in_dim3A_55 : vector<16xf32> to vector<1x16xf32>
        tpu.vector_store %arg12[%swap3A_56, %swap3A_57], %swap3A_60 {strides = array<i32>} : memref<64x128xf32, #tpu.memory_space<vmem>>, vector<1x16xf32>,
      }
      %scan3A_43 = arith.constant 8 : i32
      %broadcast_in_dim3A = arith.constant 0.000000e+00 : f32
      %broadcast_in_dim3A_44 = vector.broadcast %broadcast_in_dim3A : f32 to vector<16xf32>
      %swap3A = arith.index_cast %add3A_38 : i32 to index
      %swap3A_45 = arith.constant 0 : index
      %swap3A_46 = tpu.vector_load %arg14[%swap3A, %swap3A_45] {strides = array<i32>} : memref<64x16xf32, #tpu.memory_space<vmem>>, vector<1x16xf32>,
      %swap3A_47 = vector.shape_cast %swap3A_46 : vector<1x16xf32> to vector<16xf32>
      %swap3A_48 = vector.shape_cast %broadcast_in_dim3A_44 : vector<16xf32> to vector<1x16xf32>
      tpu.vector_store %arg14[%swap3A, %swap3A_45], %swap3A_48 {strides = array<i32>} : memref<64x16xf32, #tpu.memory_space<vmem>>, vector<1x16xf32>,
    }
    %scan3A_4 = arith.constant 64 : i32
    %scan3A_5 = arith.constant 0 : i32
    %scan3A_6 = arith.constant 10 : i32
    %scan3A_7 = arith.addi %scan3A_5, %scan3A_6 : i32
    %scan3A_8 = arith.constant 1 : i32
    scf.for %scan3A_34 = %scan3A_5 to %scan3A_7 step %scan3A_8  : i32 {
      %mul3A_35 = arith.constant 64 : i32
      %mul3A_36 = arith.muli %scan3A_34, %mul3A_35 : i32
      %add3A_37 = arith.constant 0 : i32
      %add3A_38 = arith.addi %add3A_37, %mul3A_36 : i32
      %mul3A_39 = arith.constant 640 : i32
      %mul3A_40 = arith.muli %arg1, %mul3A_39 : i32
      %add3A_41 = arith.addi %mul3A_40, %add3A_38 : i32
      %dma_start3A = arith.constant 0 : i32
      %dma_start3A_42 = tpu.memref_slice %arg8[%add3A_41, %dma_start3A] : memref<10240x128xf32, #tpu.memory_space<vmem_shared>> -> memref<64x128xf32, #tpu.memory_space<vmem_shared>>
      %dma_start3A_43 = arith.constant 0 : i32
      %dma_start3A_44 = tpu.memref_slice %arg8[%add3A_41, %dma_start3A_43] : memref<10240x128xf32, #tpu.memory_space<vmem_shared>> -> memref<64x128xf32, #tpu.memory_space<vmem_shared>>
      tpu.enqueue_dma source(%arg12 : memref<64x128xf32, #tpu.memory_space<vmem>>) target(%dma_start3A_44 : memref<64x128xf32, #tpu.memory_space<vmem_shared>>) target_semaphore(%arg17 : memref<!tpu.dma_semaphore, #tpu.memory_space<semaphore_mem>>)
      %mul3A_45 = arith.constant 640 : i32
      %mul3A_46 = arith.muli %arg1, %mul3A_45 : i32
      %add3A_47 = arith.addi %mul3A_46, %add3A_38 : i32
      %dma_start3A_48 = arith.constant 0 : i32
      %dma_start3A_49 = tpu.memref_slice %arg9[%add3A_47, %dma_start3A_48] : memref<10240x16xf32, #tpu.memory_space<vmem_shared>> -> memref<64x16xf32, #tpu.memory_space<vmem_shared>>
      %dma_start3A_50 = arith.constant 0 : i32
      %dma_start3A_51 = tpu.memref_slice %arg9[%add3A_47, %dma_start3A_50] : memref<10240x16xf32, #tpu.memory_space<vmem_shared>> -> memref<64x16xf32, #tpu.memory_space<vmem_shared>>
      tpu.enqueue_dma source(%arg14 : memref<64x16xf32, #tpu.memory_space<vmem>>) target(%dma_start3A_51 : memref<64x16xf32, #tpu.memory_space<vmem_shared>>) target_semaphore(%arg19 : memref<!tpu.dma_semaphore, #tpu.memory_space<semaphore_mem>>)
    }
    %scan3A_9 = arith.constant 10 : i32
    %scan3A_10 = arith.constant 0 : i32
    %scan3A_11 = arith.constant 10 : i32
    %scan3A_12 = arith.addi %scan3A_10, %scan3A_11 : i32
    %scan3A_13 = arith.constant 1 : i32
    scf.for %scan3A_34 = %scan3A_10 to %scan3A_12 step %scan3A_13  : i32 {
      %mul3A_35 = arith.constant 64 : i32
      %mul3A_36 = arith.muli %scan3A_34, %mul3A_35 : i32
      %add3A_37 = arith.constant 0 : i32
      %add3A_38 = arith.addi %add3A_37, %mul3A_36 : i32
      %dma_wait3A = arith.constant 0 : i32
      %dma_wait3A_39 = arith.constant 0 : i32
      %dma_wait3A_40 = tpu.memref_slice %arg8[%dma_wait3A, %dma_wait3A_39] : memref<10240x128xf32, #tpu.memory_space<vmem_shared>> -> memref<64x128xf32, #tpu.memory_space<vmem_shared>>
      %dma_wait3A_41 = arith.constant 0 : i32
      %dma_wait3A_42 = arith.constant 0 : i32
      %dma_wait3A_43 = tpu.memref_slice %arg8[%dma_wait3A_41, %dma_wait3A_42] : memref<10240x128xf32, #tpu.memory_space<vmem_shared>> -> memref<64x128xf32, #tpu.memory_space<vmem_shared>>
      tpu.wait_dma2 semaphore(%arg17 : memref<!tpu.dma_semaphore, #tpu.memory_space<semaphore_mem>>) src(%arg12 : memref<64x128xf32, #tpu.memory_space<vmem>>) dst(%dma_wait3A_43 : memref<64x128xf32, #tpu.memory_space<vmem_shared>>)
      %dma_wait3A_44 = arith.constant 0 : i32
      %dma_wait3A_45 = arith.constant 0 : i32
      %dma_wait3A_46 = tpu.memref_slice %arg9[%dma_wait3A_44, %dma_wait3A_45] : memref<10240x16xf32, #tpu.memory_space<vmem_shared>> -> memref<64x16xf32, #tpu.memory_space<vmem_shared>>
      %dma_wait3A_47 = arith.constant 0 : i32
      %dma_wait3A_48 = arith.constant 0 : i32
      %dma_wait3A_49 = tpu.memref_slice %arg9[%dma_wait3A_47, %dma_wait3A_48] : memref<10240x16xf32, #tpu.memory_space<vmem_shared>> -> memref<64x16xf32, #tpu.memory_space<vmem_shared>>
      tpu.wait_dma2 semaphore(%arg19 : memref<!tpu.dma_semaphore, #tpu.memory_space<semaphore_mem>>) src(%arg14 : memref<64x16xf32, #tpu.memory_space<vmem>>) dst(%dma_wait3A_49 : memref<64x16xf32, #tpu.memory_space<vmem_shared>>)
    }
    %scan3A_14 = arith.constant 10 : i32
    %scan3A_15 = arith.constant 0 : i32
    %scan3A_16 = arith.constant 64 : i32
    %scan3A_17 = arith.addi %scan3A_15, %scan3A_16 : i32
    %scan3A_18 = arith.constant 1 : i32
    scf.for %scan3A_34 = %scan3A_15 to %scan3A_17 step %scan3A_18  : i32 {
      %mul3A_35 = arith.constant 1 : i32
      %mul3A_36 = arith.muli %scan3A_34, %mul3A_35 : i32
      %add3A_37 = arith.constant 0 : i32
      %add3A_38 = arith.addi %add3A_37, %mul3A_36 : i32
      %broadcast_in_dim3A = arith.constant 1.000000e+00 : f32
      %broadcast_in_dim3A_39 = vector.broadcast %broadcast_in_dim3A : f32 to vector<16xf32>
      %swap3A = arith.index_cast %add3A_38 : i32 to index
      %swap3A_40 = arith.constant 0 : index
      %swap3A_41 = tpu.vector_load %arg14[%swap3A, %swap3A_40] {strides = array<i32>} : memref<64x16xf32, #tpu.memory_space<vmem>>, vector<1x16xf32>,
      %swap3A_42 = vector.shape_cast %swap3A_41 : vector<1x16xf32> to vector<16xf32>
      %swap3A_43 = vector.shape_cast %broadcast_in_dim3A_39 : vector<16xf32> to vector<1x16xf32>
      tpu.vector_store %arg14[%swap3A, %swap3A_40], %swap3A_43 {strides = array<i32>} : memref<64x16xf32, #tpu.memory_space<vmem>>, vector<1x16xf32>,
    }
    %scan3A_19 = arith.constant 64 : i32
    %barrier3A = arith.constant 0 : index
    tpu.barrier barrier_id(%barrier3A)
    %scan3A_20 = arith.constant 0 : i32
    %scan3A_21 = arith.constant 4 : i32
    %scan3A_22 = arith.addi %scan3A_20, %scan3A_21 : i32
    %scan3A_23 = arith.constant 1 : i32
    scf.for %scan3A_34 = %scan3A_20 to %scan3A_22 step %scan3A_23  : i32 {
      %mul3A_35 = arith.constant 1 : i32
      %mul3A_36 = arith.muli %scan3A_34, %mul3A_35 : i32
      %add3A_37 = arith.constant 0 : i32
      %add3A_38 = arith.addi %add3A_37, %mul3A_36 : i32
      %mul3A_39 = arith.constant 40 : i32
      %mul3A_40 = arith.muli %add3A_38, %mul3A_39 : i32
      "tpu.region"() ({
        %run_scoped3A = tpu.sem_alloc : memref<!tpu.dma_semaphore, #tpu.memory_space<semaphore_mem>>
        %dma_start3A_84 = arith.constant 0 : i32
        %dma_start3A_85 = tpu.memref_slice %arg3[%add3A, %mul3A_40, %dma_start3A_84] : memref<32x160x64xi32, #tpu.memory_space<hbm>> -> memref<1x40x64xi32, #tpu.memory_space<hbm>>
        %dma_start3A_86 = tpu.memref_squeeze %dma_start3A_85 : memref<1x40x64xi32, #tpu.memory_space<hbm>> -> memref<40x64xi32, #tpu.memory_space<hbm>>
        %dma_start3A_87 = arith.constant 0 : i32
        %dma_start3A_88 = tpu.memref_slice %arg3[%add3A, %mul3A_40, %dma_start3A_87] : memref<32x160x64xi32, #tpu.memory_space<hbm>> -> memref<1x40x64xi32, #tpu.memory_space<hbm>>
        %dma_start3A_89 = tpu.memref_squeeze %dma_start3A_88 : memref<1x40x64xi32, #tpu.memory_space<hbm>> -> memref<40x64xi32, #tpu.memory_space<hbm>>
        tpu.enqueue_dma source(%dma_start3A_89 : memref<40x64xi32, #tpu.memory_space<hbm>>) target(%arg10 : memref<40x64xi32, #tpu.memory_space<vmem>>) target_semaphore(%run_scoped3A : memref<!tpu.dma_semaphore, #tpu.memory_space<semaphore_mem>>)
        %dma_wait3A_90 = arith.constant 0 : i32
        %dma_wait3A_91 = tpu.memref_slice %arg3[%add3A, %mul3A_40, %dma_wait3A_90] : memref<32x160x64xi32, #tpu.memory_space<hbm>> -> memref<1x40x64xi32, #tpu.memory_space<hbm>>
        %dma_wait3A_92 = tpu.memref_squeeze %dma_wait3A_91 : memref<1x40x64xi32, #tpu.memory_space<hbm>> -> memref<40x64xi32, #tpu.memory_space<hbm>>
        %dma_wait3A_93 = arith.constant 0 : i32
        %dma_wait3A_94 = tpu.memref_slice %arg3[%add3A, %mul3A_40, %dma_wait3A_93] : memref<32x160x64xi32, #tpu.memory_space<hbm>> -> memref<1x40x64xi32, #tpu.memory_space<hbm>>
        %dma_wait3A_95 = tpu.memref_squeeze %dma_wait3A_94 : memref<1x40x64xi32, #tpu.memory_space<hbm>> -> memref<40x64xi32, #tpu.memory_space<hbm>>
        tpu.wait_dma2 semaphore(%run_scoped3A : memref<!tpu.dma_semaphore, #tpu.memory_space<semaphore_mem>>) src(%dma_wait3A_95 : memref<40x64xi32, #tpu.memory_space<hbm>>) dst(%arg10 : memref<40x64xi32, #tpu.memory_space<vmem>>)
        tpu.yield
      }) : () -> ()
      %mul3A_41 = arith.constant 40 : i32
      %mul3A_42 = arith.muli %add3A_38, %mul3A_41 : i32
      "tpu.region"() ({
        %run_scoped3A = tpu.sem_alloc : memref<!tpu.dma_semaphore, #tpu.memory_space<semaphore_mem>>
        %dma_start3A_84 = arith.constant 0 : i32
        %dma_start3A_85 = tpu.memref_slice %arg4[%add3A, %mul3A_42, %dma_start3A_84] : memref<32x160x64xi32, #tpu.memory_space<hbm>> -> memref<1x40x64xi32, #tpu.memory_space<hbm>>
        %dma_start3A_86 = tpu.memref_squeeze %dma_start3A_85 : memref<1x40x64xi32, #tpu.memory_space<hbm>> -> memref<40x64xi32, #tpu.memory_space<hbm>>
        %dma_start3A_87 = arith.constant 0 : i32
        %dma_start3A_88 = tpu.memref_slice %arg4[%add3A, %mul3A_42, %dma_start3A_87] : memref<32x160x64xi32, #tpu.memory_space<hbm>> -> memref<1x40x64xi32, #tpu.memory_space<hbm>>
        %dma_start3A_89 = tpu.memref_squeeze %dma_start3A_88 : memref<1x40x64xi32, #tpu.memory_space<hbm>> -> memref<40x64xi32, #tpu.memory_space<hbm>>
        tpu.enqueue_dma source(%dma_start3A_89 : memref<40x64xi32, #tpu.memory_space<hbm>>) target(%arg11 : memref<40x64xi32, #tpu.memory_space<vmem>>) target_semaphore(%run_scoped3A : memref<!tpu.dma_semaphore, #tpu.memory_space<semaphore_mem>>)
        %dma_wait3A_90 = arith.constant 0 : i32
        %dma_wait3A_91 = tpu.memref_slice %arg4[%add3A, %mul3A_42, %dma_wait3A_90] : memref<32x160x64xi32, #tpu.memory_space<hbm>> -> memref<1x40x64xi32, #tpu.memory_space<hbm>>
        %dma_wait3A_92 = tpu.memref_squeeze %dma_wait3A_91 : memref<1x40x64xi32, #tpu.memory_space<hbm>> -> memref<40x64xi32, #tpu.memory_space<hbm>>
        %dma_wait3A_93 = arith.constant 0 : i32
        %dma_wait3A_94 = tpu.memref_slice %arg4[%add3A, %mul3A_42, %dma_wait3A_93] : memref<32x160x64xi32, #tpu.memory_space<hbm>> -> memref<1x40x64xi32, #tpu.memory_space<hbm>>
        %dma_wait3A_95 = tpu.memref_squeeze %dma_wait3A_94 : memref<1x40x64xi32, #tpu.memory_space<hbm>> -> memref<40x64xi32, #tpu.memory_space<hbm>>
        tpu.wait_dma2 semaphore(%run_scoped3A : memref<!tpu.dma_semaphore, #tpu.memory_space<semaphore_mem>>) src(%dma_wait3A_95 : memref<40x64xi32, #tpu.memory_space<hbm>>) dst(%arg11 : memref<40x64xi32, #tpu.memory_space<vmem>>)
        tpu.yield
      }) : () -> ()
      %dma_start3A = arith.constant 0 : i32
      %dma_start3A_43 = arith.constant 0 : i32
      %dma_start3A_44 = tpu.memref_slice %arg11[%dma_start3A, %dma_start3A_43] : memref<40x64xi32, #tpu.memory_space<vmem>> -> memref<1x64xi32, #tpu.memory_space<vmem>>
      %dma_start3A_45 = tpu.memref_squeeze %dma_start3A_44 : memref<1x64xi32, #tpu.memory_space<vmem>> -> memref<64xi32, #tpu.memory_space<vmem>>
      %dma_start3A_46 = arith.constant 0 : i32
      %dma_start3A_47 = arith.constant 0 : i32
      %dma_start3A_48 = tpu.memref_slice %arg2[%dma_start3A_46, %dma_start3A_47] : memref<10000x128xf32, #tpu.memory_space<hbm>> -> memref<10000x128xf32, #tpu.memory_space<hbm>>
      tpu.enqueue_indirect_dma source(%dma_start3A_48 : memref<10000x128xf32, #tpu.memory_space<hbm>>) target(%arg12 : memref<64x128xf32, #tpu.memory_space<vmem>>) offsets(%dma_start3A_45 : memref<64xi32, #tpu.memory_space<vmem>>) semaphore(%arg15 : memref<!tpu.dma_semaphore, #tpu.memory_space<semaphore_mem>>)
      %dma_start3A_49 = arith.constant 1 : i32
      %dma_start3A_50 = arith.constant 0 : i32
      %dma_start3A_51 = tpu.memref_slice %arg11[%dma_start3A_49, %dma_start3A_50] : memref<40x64xi32, #tpu.memory_space<vmem>> -> memref<1x64xi32, #tpu.memory_space<vmem>>
      %dma_start3A_52 = tpu.memref_squeeze %dma_start3A_51 : memref<1x64xi32, #tpu.memory_space<vmem>> -> memref<64xi32, #tpu.memory_space<vmem>>
      %dma_start3A_53 = arith.constant 0 : i32
      %dma_start3A_54 = arith.constant 0 : i32
      %dma_start3A_55 = tpu.memref_slice %arg2[%dma_start3A_53, %dma_start3A_54] : memref<10000x128xf32, #tpu.memory_space<hbm>> -> memref<10000x128xf32, #tpu.memory_space<hbm>>
      tpu.enqueue_indirect_dma source(%dma_start3A_55 : memref<10000x128xf32, #tpu.memory_space<hbm>>) target(%arg13 : memref<64x128xf32, #tpu.memory_space<vmem>>) offsets(%dma_start3A_52 : memref<64xi32, #tpu.memory_space<vmem>>) semaphore(%arg16 : memref<!tpu.dma_semaphore, #tpu.memory_space<semaphore_mem>>)
      %scan3A_56 = arith.constant 0 : i32
      %scan3A_57 = arith.constant 20 : i32
      %scan3A_58 = arith.addi %scan3A_56, %scan3A_57 : i32
      %scan3A_59 = arith.constant 1 : i32
      scf.for %scan3A_84 = %scan3A_56 to %scan3A_58 step %scan3A_59  : i32 {
        %mul3A_85 = arith.constant 2 : i32
        %mul3A_86 = arith.muli %scan3A_84, %mul3A_85 : i32
        %add3A_87 = arith.constant 0 : i32
        %add3A_88 = arith.addi %add3A_87, %mul3A_86 : i32
        tpu.wait_dma2 semaphore(%arg15 : memref<!tpu.dma_semaphore, #tpu.memory_space<semaphore_mem>>) src(%arg5 : memref<64x128xf32, #tpu.memory_space<hbm>>) dst(%arg12 : memref<64x128xf32, #tpu.memory_space<vmem>>)
        %dma_start3A_89 = arith.constant 0 : i32
        %dma_start3A_90 = tpu.memref_slice %arg10[%add3A_88, %dma_start3A_89] : memref<40x64xi32, #tpu.memory_space<vmem>> -> memref<1x64xi32, #tpu.memory_space<vmem>>
        %dma_start3A_91 = tpu.memref_squeeze %dma_start3A_90 : memref<1x64xi32, #tpu.memory_space<vmem>> -> memref<64xi32, #tpu.memory_space<vmem>>
        %dma_start3A_92 = arith.constant 0 : i32
        %dma_start3A_93 = arith.constant 0 : i32
        %dma_start3A_94 = tpu.memref_slice %arg8[%dma_start3A_92, %dma_start3A_93] : memref<10240x128xf32, #tpu.memory_space<vmem_shared>> -> memref<10240x128xf32, #tpu.memory_space<vmem_shared>>
        tpu.enqueue_indirect_dma source(%arg12 : memref<64x128xf32, #tpu.memory_space<vmem>>) target(%dma_start3A_94 : memref<10240x128xf32, #tpu.memory_space<vmem_shared>>) offsets(%dma_start3A_91 : memref<64xi32, #tpu.memory_space<vmem>>) semaphore(%arg17 : memref<!tpu.dma_semaphore, #tpu.memory_space<semaphore_mem>>) {add = true}
        %dma_start3A_95 = arith.constant 0 : i32
        %dma_start3A_96 = tpu.memref_slice %arg10[%add3A_88, %dma_start3A_95] : memref<40x64xi32, #tpu.memory_space<vmem>> -> memref<1x64xi32, #tpu.memory_space<vmem>>
        %dma_start3A_97 = tpu.memref_squeeze %dma_start3A_96 : memref<1x64xi32, #tpu.memory_space<vmem>> -> memref<64xi32, #tpu.memory_space<vmem>>
        %dma_start3A_98 = arith.constant 0 : i32
        %dma_start3A_99 = arith.constant 0 : i32
        %dma_start3A_100 = tpu.memref_slice %arg9[%dma_start3A_98, %dma_start3A_99] : memref<10240x16xf32, #tpu.memory_space<vmem_shared>> -> memref<10240x16xf32, #tpu.memory_space<vmem_shared>>
        tpu.enqueue_indirect_dma source(%arg14 : memref<64x16xf32, #tpu.memory_space<vmem>>) target(%dma_start3A_100 : memref<10240x16xf32, #tpu.memory_space<vmem_shared>>) offsets(%dma_start3A_97 : memref<64xi32, #tpu.memory_space<vmem>>) semaphore(%arg19 : memref<!tpu.dma_semaphore, #tpu.memory_space<semaphore_mem>>) {add = true}
        %add3A_101 = arith.constant 2 : i32
        %add3A_102 = arith.addi %add3A_88, %add3A_101 : i32
        %lt3A = arith.constant 40 : i32
        %lt3A_103 = arith.cmpi slt, %add3A_102, %lt3A : i32
        %convert_element_type3A = arith.extui %lt3A_103 : i1 to i32
        %cond3A = arith.constant 0 : i32
        %cond3A_104 = arith.cmpi ne, %convert_element_type3A, %cond3A : i32
        scf.if %cond3A_104 {
          %dma_wait3A_128 = arith.constant 0 : i32
          %dma_wait3A_129 = arith.constant 0 : i32
          %dma_wait3A_130 = tpu.memref_slice %arg8[%dma_wait3A_128, %dma_wait3A_129] : memref<10240x128xf32, #tpu.memory_space<vmem_shared>> -> memref<64x128xf32, #tpu.memory_space<vmem_shared>>
          %dma_wait3A_131 = arith.constant 0 : i32
          %dma_wait3A_132 = arith.constant 0 : i32
          %dma_wait3A_133 = tpu.memref_slice %arg8[%dma_wait3A_131, %dma_wait3A_132] : memref<10240x128xf32, #tpu.memory_space<vmem_shared>> -> memref<64x128xf32, #tpu.memory_space<vmem_shared>>
          tpu.wait_dma2 semaphore(%arg17 : memref<!tpu.dma_semaphore, #tpu.memory_space<semaphore_mem>>) src(%arg12 : memref<64x128xf32, #tpu.memory_space<vmem>>) dst(%dma_wait3A_133 : memref<64x128xf32, #tpu.memory_space<vmem_shared>>)
          %dma_wait3A_134 = arith.constant 0 : i32
          %dma_wait3A_135 = arith.constant 0 : i32
          %dma_wait3A_136 = tpu.memref_slice %arg9[%dma_wait3A_134, %dma_wait3A_135] : memref<10240x16xf32, #tpu.memory_space<vmem_shared>> -> memref<64x16xf32, #tpu.memory_space<vmem_shared>>
          %dma_wait3A_137 = arith.constant 0 : i32
          %dma_wait3A_138 = arith.constant 0 : i32
          %dma_wait3A_139 = tpu.memref_slice %arg9[%dma_wait3A_137, %dma_wait3A_138] : memref<10240x16xf32, #tpu.memory_space<vmem_shared>> -> memref<64x16xf32, #tpu.memory_space<vmem_shared>>
          tpu.wait_dma2 semaphore(%arg19 : memref<!tpu.dma_semaphore, #tpu.memory_space<semaphore_mem>>) src(%arg14 : memref<64x16xf32, #tpu.memory_space<vmem>>) dst(%dma_wait3A_139 : memref<64x16xf32, #tpu.memory_space<vmem_shared>>)
          %add3A_140 = arith.constant 2 : i32
          %add3A_141 = arith.addi %add3A_88, %add3A_140 : i32
          %dma_start3A_142 = arith.constant 0 : i32
          %dma_start3A_143 = tpu.memref_slice %arg11[%add3A_141, %dma_start3A_142] : memref<40x64xi32, #tpu.memory_space<vmem>> -> memref<1x64xi32, #tpu.memory_space<vmem>>
          %dma_start3A_144 = tpu.memref_squeeze %dma_start3A_143 : memref<1x64xi32, #tpu.memory_space<vmem>> -> memref<64xi32, #tpu.memory_space<vmem>>
          %dma_start3A_145 = arith.constant 0 : i32
          %dma_start3A_146 = arith.constant 0 : i32
          %dma_start3A_147 = tpu.memref_slice %arg2[%dma_start3A_145, %dma_start3A_146] : memref<10000x128xf32, #tpu.memory_space<hbm>> -> memref<10000x128xf32, #tpu.memory_space<hbm>>
          tpu.enqueue_indirect_dma source(%dma_start3A_147 : memref<10000x128xf32, #tpu.memory_space<hbm>>) target(%arg12 : memref<64x128xf32, #tpu.memory_space<vmem>>) offsets(%dma_start3A_144 : memref<64xi32, #tpu.memory_space<vmem>>) semaphore(%arg15 : memref<!tpu.dma_semaphore, #tpu.memory_space<semaphore_mem>>)
        } else {
        }
        tpu.wait_dma2 semaphore(%arg16 : memref<!tpu.dma_semaphore, #tpu.memory_space<semaphore_mem>>) src(%arg5 : memref<64x128xf32, #tpu.memory_space<hbm>>) dst(%arg13 : memref<64x128xf32, #tpu.memory_space<vmem>>)
        %add3A_105 = arith.constant 1 : i32
        %add3A_106 = arith.addi %add3A_88, %add3A_105 : i32
        %dma_start3A_107 = arith.constant 0 : i32
        %dma_start3A_108 = tpu.memref_slice %arg10[%add3A_106, %dma_start3A_107] : memref<40x64xi32, #tpu.memory_space<vmem>> -> memref<1x64xi32, #tpu.memory_space<vmem>>
        %dma_start3A_109 = tpu.memref_squeeze %dma_start3A_108 : memref<1x64xi32, #tpu.memory_space<vmem>> -> memref<64xi32, #tpu.memory_space<vmem>>
        %dma_start3A_110 = arith.constant 0 : i32
        %dma_start3A_111 = arith.constant 0 : i32
        %dma_start3A_112 = tpu.memref_slice %arg8[%dma_start3A_110, %dma_start3A_111] : memref<10240x128xf32, #tpu.memory_space<vmem_shared>> -> memref<10240x128xf32, #tpu.memory_space<vmem_shared>>
        tpu.enqueue_indirect_dma source(%arg13 : memref<64x128xf32, #tpu.memory_space<vmem>>) target(%dma_start3A_112 : memref<10240x128xf32, #tpu.memory_space<vmem_shared>>) offsets(%dma_start3A_109 : memref<64xi32, #tpu.memory_space<vmem>>) semaphore(%arg18 : memref<!tpu.dma_semaphore, #tpu.memory_space<semaphore_mem>>) {add = true}
        %add3A_113 = arith.constant 1 : i32
        %add3A_114 = arith.addi %add3A_88, %add3A_113 : i32
        %dma_start3A_115 = arith.constant 0 : i32
        %dma_start3A_116 = tpu.memref_slice %arg10[%add3A_114, %dma_start3A_115] : memref<40x64xi32, #tpu.memory_space<vmem>> -> memref<1x64xi32, #tpu.memory_space<vmem>>
        %dma_start3A_117 = tpu.memref_squeeze %dma_start3A_116 : memref<1x64xi32, #tpu.memory_space<vmem>> -> memref<64xi32, #tpu.memory_space<vmem>>
        %dma_start3A_118 = arith.constant 0 : i32
        %dma_start3A_119 = arith.constant 0 : i32
        %dma_start3A_120 = tpu.memref_slice %arg9[%dma_start3A_118, %dma_start3A_119] : memref<10240x16xf32, #tpu.memory_space<vmem_shared>> -> memref<10240x16xf32, #tpu.memory_space<vmem_shared>>
        tpu.enqueue_indirect_dma source(%arg14 : memref<64x16xf32, #tpu.memory_space<vmem>>) target(%dma_start3A_120 : memref<10240x16xf32, #tpu.memory_space<vmem_shared>>) offsets(%dma_start3A_117 : memref<64xi32, #tpu.memory_space<vmem>>) semaphore(%arg20 : memref<!tpu.dma_semaphore, #tpu.memory_space<semaphore_mem>>) {add = true}
        %add3A_121 = arith.constant 3 : i32
        %add3A_122 = arith.addi %add3A_88, %add3A_121 : i32
        %lt3A_123 = arith.constant 40 : i32
        %lt3A_124 = arith.cmpi slt, %add3A_122, %lt3A_123 : i32
        %convert_element_type3A_125 = arith.extui %lt3A_124 : i1 to i32
        %cond3A_126 = arith.constant 0 : i32
        %cond3A_127 = arith.cmpi ne, %convert_element_type3A_125, %cond3A_126 : i32
        scf.if %cond3A_127 {
          %dma_wait3A_128 = arith.constant 0 : i32
          %dma_wait3A_129 = arith.constant 0 : i32
          %dma_wait3A_130 = tpu.memref_slice %arg8[%dma_wait3A_128, %dma_wait3A_129] : memref<10240x128xf32, #tpu.memory_space<vmem_shared>> -> memref<64x128xf32, #tpu.memory_space<vmem_shared>>
          %dma_wait3A_131 = arith.constant 0 : i32
          %dma_wait3A_132 = arith.constant 0 : i32
          %dma_wait3A_133 = tpu.memref_slice %arg8[%dma_wait3A_131, %dma_wait3A_132] : memref<10240x128xf32, #tpu.memory_space<vmem_shared>> -> memref<64x128xf32, #tpu.memory_space<vmem_shared>>
          tpu.wait_dma2 semaphore(%arg18 : memref<!tpu.dma_semaphore, #tpu.memory_space<semaphore_mem>>) src(%arg13 : memref<64x128xf32, #tpu.memory_space<vmem>>) dst(%dma_wait3A_133 : memref<64x128xf32, #tpu.memory_space<vmem_shared>>)
          %dma_wait3A_134 = arith.constant 0 : i32
          %dma_wait3A_135 = arith.constant 0 : i32
          %dma_wait3A_136 = tpu.memref_slice %arg9[%dma_wait3A_134, %dma_wait3A_135] : memref<10240x16xf32, #tpu.memory_space<vmem_shared>> -> memref<64x16xf32, #tpu.memory_space<vmem_shared>>
          %dma_wait3A_137 = arith.constant 0 : i32
          %dma_wait3A_138 = arith.constant 0 : i32
          %dma_wait3A_139 = tpu.memref_slice %arg9[%dma_wait3A_137, %dma_wait3A_138] : memref<10240x16xf32, #tpu.memory_space<vmem_shared>> -> memref<64x16xf32, #tpu.memory_space<vmem_shared>>
          tpu.wait_dma2 semaphore(%arg20 : memref<!tpu.dma_semaphore, #tpu.memory_space<semaphore_mem>>) src(%arg14 : memref<64x16xf32, #tpu.memory_space<vmem>>) dst(%dma_wait3A_139 : memref<64x16xf32, #tpu.memory_space<vmem_shared>>)
          %add3A_140 = arith.constant 3 : i32
          %add3A_141 = arith.addi %add3A_88, %add3A_140 : i32
          %dma_start3A_142 = arith.constant 0 : i32
          %dma_start3A_143 = tpu.memref_slice %arg11[%add3A_141, %dma_start3A_142] : memref<40x64xi32, #tpu.memory_space<vmem>> -> memref<1x64xi32, #tpu.memory_space<vmem>>
          %dma_start3A_144 = tpu.memref_squeeze %dma_start3A_143 : memref<1x64xi32, #tpu.memory_space<vmem>> -> memref<64xi32, #tpu.memory_space<vmem>>
          %dma_start3A_145 = arith.constant 0 : i32
          %dma_start3A_146 = arith.constant 0 : i32
          %dma_start3A_147 = tpu.memref_slice %arg2[%dma_start3A_145, %dma_start3A_146] : memref<10000x128xf32, #tpu.memory_space<hbm>> -> memref<10000x128xf32, #tpu.memory_space<hbm>>
          tpu.enqueue_indirect_dma source(%dma_start3A_147 : memref<10000x128xf32, #tpu.memory_space<hbm>>) target(%arg13 : memref<64x128xf32, #tpu.memory_space<vmem>>) offsets(%dma_start3A_144 : memref<64xi32, #tpu.memory_space<vmem>>) semaphore(%arg16 : memref<!tpu.dma_semaphore, #tpu.memory_space<semaphore_mem>>)
        } else {
        }
      }
      %scan3A_60 = arith.constant 20 : i32
      %dma_wait3A = arith.constant 0 : i32
      %dma_wait3A_61 = arith.constant 0 : i32
      %dma_wait3A_62 = tpu.memref_slice %arg8[%dma_wait3A, %dma_wait3A_61] : memref<10240x128xf32, #tpu.memory_space<vmem_shared>> -> memref<64x128xf32, #tpu.memory_space<vmem_shared>>
      %dma_wait3A_63 = arith.constant 0 : i32
      %dma_wait3A_64 = arith.constant 0 : i32
      %dma_wait3A_65 = tpu.memref_slice %arg8[%dma_wait3A_63, %dma_wait3A_64] : memref<10240x128xf32, #tpu.memory_space<vmem_shared>> -> memref<64x128xf32, #tpu.memory_space<vmem_shared>>
      tpu.wait_dma2 semaphore(%arg17 : memref<!tpu.dma_semaphore, #tpu.memory_space<semaphore_mem>>) src(%arg12 : memref<64x128xf32, #tpu.memory_space<vmem>>) dst(%dma_wait3A_65 : memref<64x128xf32, #tpu.memory_space<vmem_shared>>)
      %dma_wait3A_66 = arith.constant 0 : i32
      %dma_wait3A_67 = arith.constant 0 : i32
      %dma_wait3A_68 = tpu.memref_slice %arg9[%dma_wait3A_66, %dma_wait3A_67] : memref<10240x16xf32, #tpu.memory_space<vmem_shared>> -> memref<64x16xf32, #tpu.memory_space<vmem_shared>>
      %dma_wait3A_69 = arith.constant 0 : i32
      %dma_wait3A_70 = arith.constant 0 : i32
      %dma_wait3A_71 = tpu.memref_slice %arg9[%dma_wait3A_69, %dma_wait3A_70] : memref<10240x16xf32, #tpu.memory_space<vmem_shared>> -> memref<64x16xf32, #tpu.memory_space<vmem_shared>>
      tpu.wait_dma2 semaphore(%arg19 : memref<!tpu.dma_semaphore, #tpu.memory_space<semaphore_mem>>) src(%arg14 : memref<64x16xf32, #tpu.memory_space<vmem>>) dst(%dma_wait3A_71 : memref<64x16xf32, #tpu.memory_space<vmem_shared>>)
      %dma_wait3A_72 = arith.constant 0 : i32
      %dma_wait3A_73 = arith.constant 0 : i32
      %dma_wait3A_74 = tpu.memref_slice %arg8[%dma_wait3A_72, %dma_wait3A_73] : memref<10240x128xf32, #tpu.memory_space<vmem_shared>> -> memref<64x128xf32, #tpu.memory_space<vmem_shared>>
      %dma_wait3A_75 = arith.constant 0 : i32
      %dma_wait3A_76 = arith.constant 0 : i32
      %dma_wait3A_77 = tpu.memref_slice %arg8[%dma_wait3A_75, %dma_wait3A_76] : memref<10240x128xf32, #tpu.memory_space<vmem_shared>> -> memref<64x128xf32, #tpu.memory_space<vmem_shared>>
      tpu.wait_dma2 semaphore(%arg18 : memref<!tpu.dma_semaphore, #tpu.memory_space<semaphore_mem>>) src(%arg13 : memref<64x128xf32, #tpu.memory_space<vmem>>) dst(%dma_wait3A_77 : memref<64x128xf32, #tpu.memory_space<vmem_shared>>)
      %dma_wait3A_78 = arith.constant 0 : i32
      %dma_wait3A_79 = arith.constant 0 : i32
      %dma_wait3A_80 = tpu.memref_slice %arg9[%dma_wait3A_78, %dma_wait3A_79] : memref<10240x16xf32, #tpu.memory_space<vmem_shared>> -> memref<64x16xf32, #tpu.memory_space<vmem_shared>>
      %dma_wait3A_81 = arith.constant 0 : i32
      %dma_wait3A_82 = arith.constant 0 : i32
      %dma_wait3A_83 = tpu.memref_slice %arg9[%dma_wait3A_81, %dma_wait3A_82] : memref<10240x16xf32, #tpu.memory_space<vmem_shared>> -> memref<64x16xf32, #tpu.memory_space<vmem_shared>>
      tpu.wait_dma2 semaphore(%arg20 : memref<!tpu.dma_semaphore, #tpu.memory_space<semaphore_mem>>) src(%arg14 : memref<64x16xf32, #tpu.memory_space<vmem>>) dst(%dma_wait3A_83 : memref<64x16xf32, #tpu.memory_space<vmem_shared>>)
    }
    %scan3A_24 = arith.constant 4 : i32
    %barrier3A_25 = arith.constant 0 : index
    tpu.barrier barrier_id(%barrier3A_25)
    %mul3A_26 = arith.constant 640 : i32
    %mul3A_27 = arith.muli %arg1, %mul3A_26 : i32
    %mul3A_28 = arith.constant 640 : i32
    %mul3A_29 = arith.muli %arg1, %mul3A_28 : i32
    "tpu.region"() ({
      %run_scoped3A = tpu.sem_alloc : memref<!tpu.dma_semaphore, #tpu.memory_space<semaphore_mem>>
      %dma_start3A = arith.constant 0 : i32
      %dma_start3A_34 = tpu.memref_slice %arg6[%arg0, %mul3A_29, %dma_start3A] : memref<2x10240x128xf32, #tpu.memory_space<hbm>> -> memref<1x640x128xf32, #tpu.memory_space<hbm>>
      %dma_start3A_35 = tpu.memref_squeeze %dma_start3A_34 : memref<1x640x128xf32, #tpu.memory_space<hbm>> -> memref<640x128xf32, #tpu.memory_space<hbm>>
      %dma_start3A_36 = arith.constant 0 : i32
      %dma_start3A_37 = tpu.memref_slice %arg8[%mul3A_27, %dma_start3A_36] : memref<10240x128xf32, #tpu.memory_space<vmem_shared>> -> memref<640x128xf32, #tpu.memory_space<vmem_shared>>
      tpu.enqueue_dma source(%dma_start3A_37 : memref<640x128xf32, #tpu.memory_space<vmem_shared>>) target(%dma_start3A_35 : memref<640x128xf32, #tpu.memory_space<hbm>>) target_semaphore(%run_scoped3A : memref<!tpu.dma_semaphore, #tpu.memory_space<semaphore_mem>>)
      %dma_wait3A = arith.constant 0 : i32
      %dma_wait3A_38 = tpu.memref_slice %arg6[%arg0, %mul3A_29, %dma_wait3A] : memref<2x10240x128xf32, #tpu.memory_space<hbm>> -> memref<1x640x128xf32, #tpu.memory_space<hbm>>
      %dma_wait3A_39 = tpu.memref_squeeze %dma_wait3A_38 : memref<1x640x128xf32, #tpu.memory_space<hbm>> -> memref<640x128xf32, #tpu.memory_space<hbm>>
      %dma_wait3A_40 = arith.constant 0 : i32
      %dma_wait3A_41 = tpu.memref_slice %arg8[%mul3A_27, %dma_wait3A_40] : memref<10240x128xf32, #tpu.memory_space<vmem_shared>> -> memref<640x128xf32, #tpu.memory_space<vmem_shared>>
      tpu.wait_dma2 semaphore(%run_scoped3A : memref<!tpu.dma_semaphore, #tpu.memory_space<semaphore_mem>>) src(%dma_wait3A_41 : memref<640x128xf32, #tpu.memory_space<vmem_shared>>) dst(%dma_wait3A_39 : memref<640x128xf32, #tpu.memory_space<hbm>>)
      tpu.yield
    }) : () -> ()
    %mul3A_30 = arith.constant 640 : i32
    %mul3A_31 = arith.muli %arg1, %mul3A_30 : i32
    %mul3A_32 = arith.constant 640 : i32
    %mul3A_33 = arith.muli %arg1, %mul3A_32 : i32
    "tpu.region"() ({
      %run_scoped3A = tpu.sem_alloc : memref<!tpu.dma_semaphore, #tpu.memory_space<semaphore_mem>>
      %dma_start3A = arith.constant 0 : i32
      %dma_start3A_34 = tpu.memref_slice %arg7[%arg0, %mul3A_33, %dma_start3A] : memref<2x10240x16xf32, #tpu.memory_space<hbm>> -> memref<1x640x16xf32, #tpu.memory_space<hbm>>
      %dma_start3A_35 = tpu.memref_squeeze %dma_start3A_34 : memref<1x640x16xf32, #tpu.memory_space<hbm>> -> memref<640x16xf32, #tpu.memory_space<hbm>>
      %dma_start3A_36 = arith.constant 0 : i32
      %dma_start3A_37 = tpu.memref_slice %arg9[%mul3A_31, %dma_start3A_36] : memref<10240x16xf32, #tpu.memory_space<vmem_shared>> -> memref<640x16xf32, #tpu.memory_space<vmem_shared>>
      tpu.enqueue_dma source(%dma_start3A_37 : memref<640x16xf32, #tpu.memory_space<vmem_shared>>) target(%dma_start3A_35 : memref<640x16xf32, #tpu.memory_space<hbm>>) target_semaphore(%run_scoped3A : memref<!tpu.dma_semaphore, #tpu.memory_space<semaphore_mem>>)
      %dma_wait3A = arith.constant 0 : i32
      %dma_wait3A_38 = tpu.memref_slice %arg7[%arg0, %mul3A_33, %dma_wait3A] : memref<2x10240x16xf32, #tpu.memory_space<hbm>> -> memref<1x640x16xf32, #tpu.memory_space<hbm>>
      %dma_wait3A_39 = tpu.memref_squeeze %dma_wait3A_38 : memref<1x640x16xf32, #tpu.memory_space<hbm>> -> memref<640x16xf32, #tpu.memory_space<hbm>>
      %dma_wait3A_40 = arith.constant 0 : i32
      %dma_wait3A_41 = tpu.memref_slice %arg9[%mul3A_31, %dma_wait3A_40] : memref<10240x16xf32, #tpu.memory_space<vmem_shared>> -> memref<640x16xf32, #tpu.memory_space<vmem_shared>>
      tpu.wait_dma2 semaphore(%run_scoped3A : memref<!tpu.dma_semaphore, #tpu.memory_space<semaphore_mem>>) src(%dma_wait3A_41 : memref<640x16xf32, #tpu.memory_space<vmem_shared>>) dst(%dma_wait3A_39 : memref<640x16xf32, #tpu.memory_space<hbm>>)
      tpu.yield
    }) : () -> ()
    return
  }
}

module attributes {stable_mosaic.version = 14 : i64} {
  func.func @_tc_xw_body(%arg0: i32, %arg1: memref<1000x128xf32, #tpu.memory_space<vmem>>, %arg2: memref<128x128xf32, #tpu.memory_space<vmem>>, %arg3: memref<1x128xf32, #tpu.memory_space<vmem>>, %arg4: memref<1000x128xf32, #tpu.memory_space<vmem>>) attributes {dimension_semantics = [#tpu.dimension_semantics<arbitrary>], iteration_bounds = array<i64: 10>, scalar_prefetch = 0 : i64, scratch_operands = 0 : i64, tpu.core_type = #tpu.core_type<tc>, window_params = [{transform_indices = @transform_0, window_bounds = array<i64: 1000, 128>}, {pipeline_mode = #tpu.pipeline_mode<synchronous>, transform_indices = @transform_1, window_bounds = array<i64: 128, 128>}, {pipeline_mode = #tpu.pipeline_mode<synchronous>, transform_indices = @transform_2, window_bounds = array<i64: 1, 128>}, {transform_indices = @transform_3, window_bounds = array<i64: 1000, 128>}]} {
    %get3A = arith.constant 0 : index
    %get3A_0 = arith.constant 0 : index
    %get3A_1 = vector.load %arg1[%get3A, %get3A_0] : memref<1000x128xf32, #tpu.memory_space<vmem>>, vector<1000x128xf32>
    %get3A_2 = arith.constant 0 : index
    %get3A_3 = arith.constant 0 : index
    %get3A_4 = vector.load %arg2[%get3A_2, %get3A_3] : memref<128x128xf32, #tpu.memory_space<vmem>>, vector<128x128xf32>
    %dot_general3A = arith.constant dense<0.000000e+00> : vector<1000x128xf32>
    %dot_general3A_5 = tpu.matmul %get3A_1, %get3A_4, %dot_general3A {dimension_numbers = #tpu.dot_dimension_numbers<[1], [0], [0], [1], [0, 0, 1, 1], [], []>, precision = #tpu.contract_precision<fp32>, transpose_lhs_hint = false} : vector<1000x128xf32>, vector<128x128xf32>, vector<1000x128xf32> -> vector<1000x128xf32>
    %get3A_6 = arith.constant 0 : index
    %get3A_7 = arith.constant 0 : index
    %get3A_8 = vector.load %arg3[%get3A_6, %get3A_7] : memref<1x128xf32, #tpu.memory_space<vmem>>, vector<1x128xf32>
    %add3A = vector.broadcast %get3A_8 : vector<1x128xf32> to vector<1000x128xf32>
    %add3A_9 = arith.addf %dot_general3A_5, %add3A : vector<1000x128xf32>
    %swap3A = arith.constant 0 : index
    %swap3A_10 = arith.constant 0 : index
    %swap3A_11 = vector.load %arg4[%swap3A, %swap3A_10] : memref<1000x128xf32, #tpu.memory_space<vmem>>, vector<1000x128xf32>
    tpu.vector_store %arg4[%swap3A, %swap3A_10], %add3A_9 {strides = array<i32>} : memref<1000x128xf32, #tpu.memory_space<vmem>>, vector<1000x128xf32>,
    return
  }
  func.func @transform_0(%arg0: i32) -> (i32, i32) {
    %c0_i32 = arith.constant 0 : i32
    %c0_i32_0 = arith.constant 0 : i32
    return %arg0, %c0_i32 : i32, i32
  }
  func.func @transform_1(%arg0: i32) -> (i32, i32) {
    %c0_i32 = arith.constant 0 : i32
    %c0_i32_0 = arith.constant 0 : i32
    %c0_i32_1 = arith.constant 0 : i32
    return %c0_i32, %c0_i32_0 : i32, i32
  }
  func.func @transform_2(%arg0: i32) -> (i32, i32) {
    %c0_i32 = arith.constant 0 : i32
    %c0_i32_0 = arith.constant 0 : i32
    %c0_i32_1 = arith.constant 0 : i32
    return %c0_i32, %c0_i32_0 : i32, i32
  }
  func.func @transform_3(%arg0: i32) -> (i32, i32) {
    %c0_i32 = arith.constant 0 : i32
    %c0_i32_0 = arith.constant 0 : i32
    return %arg0, %c0_i32 : i32, i32
  }
}

module attributes {stable_mosaic.version = 14 : i64} {
  func.func @_tc_body(%arg0: i32, %arg1: memref<1000x128xf32, #tpu.memory_space<vmem>>, %arg2: memref<2x1000x128xf32, #tpu.memory_space<vmem>>, %arg3: memref<2x1000x16xf32, #tpu.memory_space<vmem>>, %arg4: memref<128x128xf32, #tpu.memory_space<vmem>>, %arg5: memref<1x128xf32, #tpu.memory_space<vmem>>, %arg6: memref<1x128xf32, #tpu.memory_space<vmem>>, %arg7: memref<1000x128xf32, #tpu.memory_space<vmem>>) attributes {dimension_semantics = [#tpu.dimension_semantics<arbitrary>], iteration_bounds = array<i64: 10>, scalar_prefetch = 0 : i64, scratch_operands = 0 : i64, tpu.core_type = #tpu.core_type<tc>, window_params = [{transform_indices = @transform_0, window_bounds = array<i64: 1000, 128>}, {transform_indices = @transform_1, window_bounds = array<i64: 2, 1000, 128>}, {transform_indices = @transform_2, window_bounds = array<i64: 2, 1000, 16>}, {pipeline_mode = #tpu.pipeline_mode<synchronous>, transform_indices = @transform_3, window_bounds = array<i64: 128, 128>}, {pipeline_mode = #tpu.pipeline_mode<synchronous>, transform_indices = @transform_4, window_bounds = array<i64: 1, 128>}, {pipeline_mode = #tpu.pipeline_mode<synchronous>, transform_indices = @transform_5, window_bounds = array<i64: 1, 128>}, {transform_indices = @transform_6, window_bounds = array<i64: 1000, 128>}]} {
    %get3A = arith.constant 0 : index
    %get3A_0 = arith.constant 0 : index
    %get3A_1 = arith.constant 0 : index
    %get3A_2 = vector.load %arg2[%get3A, %get3A_0, %get3A_1] : memref<2x1000x128xf32, #tpu.memory_space<vmem>>, vector<1x1000x128xf32>
    %get3A_3 = vector.shape_cast %get3A_2 : vector<1x1000x128xf32> to vector<1000x128xf32>
    %get3A_4 = arith.constant 1 : index
    %get3A_5 = arith.constant 0 : index
    %get3A_6 = arith.constant 0 : index
    %get3A_7 = vector.load %arg2[%get3A_4, %get3A_5, %get3A_6] : memref<2x1000x128xf32, #tpu.memory_space<vmem>>, vector<1x1000x128xf32>
    %get3A_8 = vector.shape_cast %get3A_7 : vector<1x1000x128xf32> to vector<1000x128xf32>
    %add3A = arith.addf %get3A_3, %get3A_8 : vector<1000x128xf32>
    %get3A_9 = arith.constant 0 : index
    %get3A_10 = arith.constant 0 : index
    %get3A_11 = arith.constant 0 : index
    %get3A_12 = vector.load %arg3[%get3A_9, %get3A_10, %get3A_11] : memref<2x1000x16xf32, #tpu.memory_space<vmem>>, vector<1x1000x1xf32>
    %get3A_13 = vector.shape_cast %get3A_12 : vector<1x1000x1xf32> to vector<1000xf32>
    %get3A_14 = arith.constant 1 : index
    %get3A_15 = arith.constant 0 : index
    %get3A_16 = arith.constant 0 : index
    %get3A_17 = vector.load %arg3[%get3A_14, %get3A_15, %get3A_16] : memref<2x1000x16xf32, #tpu.memory_space<vmem>>, vector<1x1000x1xf32>
    %get3A_18 = vector.shape_cast %get3A_17 : vector<1x1000x1xf32> to vector<1000xf32>
    %add3A_19 = arith.addf %get3A_13, %get3A_18 : vector<1000xf32>
    %max3A = arith.constant 1.000000e+00 : f32
    %max3A_20 = vector.broadcast %max3A : f32 to vector<1000xf32>
    %max3A_21 = arith.maximumf %add3A_19, %max3A_20 : vector<1000xf32>
    %broadcast_in_dim3A = vector.shape_cast %max3A_21 : vector<1000xf32> to vector<1000x1xf32>
    %div3A = vector.broadcast %broadcast_in_dim3A : vector<1000x1xf32> to vector<1000x128xf32>
    %div3A_22 = arith.divf %add3A, %div3A : vector<1000x128xf32>
    %get3A_23 = arith.constant 0 : index
    %get3A_24 = arith.constant 0 : index
    %get3A_25 = vector.load %arg1[%get3A_23, %get3A_24] : memref<1000x128xf32, #tpu.memory_space<vmem>>, vector<1000x128xf32>
    %get3A_26 = arith.constant 0 : index
    %get3A_27 = arith.constant 0 : index
    %get3A_28 = vector.load %arg4[%get3A_26, %get3A_27] : memref<128x128xf32, #tpu.memory_space<vmem>>, vector<128x128xf32>
    %dot_general3A = arith.constant dense<0.000000e+00> : vector<1000x128xf32>
    %dot_general3A_29 = tpu.matmul %div3A_22, %get3A_28, %dot_general3A {dimension_numbers = #tpu.dot_dimension_numbers<[1], [0], [0], [1], [0, 0, 1, 1], [], []>, precision = #tpu.contract_precision<fp32>, transpose_lhs_hint = false} : vector<1000x128xf32>, vector<128x128xf32>, vector<1000x128xf32> -> vector<1000x128xf32>
    %add3A_30 = arith.addf %get3A_25, %dot_general3A_29 : vector<1000x128xf32>
    %max3A_31 = arith.constant 0.000000e+00 : f32
    %max3A_32 = vector.broadcast %max3A_31 : f32 to vector<1000x128xf32>
    %max3A_33 = arith.maximumf %add3A_30, %max3A_32 : vector<1000x128xf32>
    %reduce_sum3A = arith.constant dense<0.000000e+00> : vector<1000xf32>
    %reduce_sum3A_34 = vector.multi_reduction <add>, %max3A_33, %reduce_sum3A [1] : vector<1000x128xf32> to vector<1000xf32>
    %broadcast_in_dim3A_35 = vector.shape_cast %reduce_sum3A_34 : vector<1000xf32> to vector<1000x1xf32>
    %div3A_36 = arith.constant 1.280000e+02 : f32
    %div3A_37 = vector.broadcast %div3A_36 : f32 to vector<1000x1xf32>
    %div3A_38 = arith.divf %broadcast_in_dim3A_35, %div3A_37 : vector<1000x1xf32>
    %sub3A = vector.broadcast %div3A_38 : vector<1000x1xf32> to vector<1000x128xf32>
    %sub3A_39 = arith.subf %max3A_33, %sub3A : vector<1000x128xf32>
    %mul3A = arith.mulf %sub3A_39, %sub3A_39 : vector<1000x128xf32>
    %reduce_sum3A_40 = arith.constant dense<0.000000e+00> : vector<1000xf32>
    %reduce_sum3A_41 = vector.multi_reduction <add>, %mul3A, %reduce_sum3A_40 [1] : vector<1000x128xf32> to vector<1000xf32>
    %broadcast_in_dim3A_42 = vector.shape_cast %reduce_sum3A_41 : vector<1000xf32> to vector<1000x1xf32>
    %div3A_43 = arith.constant 1.280000e+02 : f32
    %div3A_44 = vector.broadcast %div3A_43 : f32 to vector<1000x1xf32>
    %div3A_45 = arith.divf %broadcast_in_dim3A_42, %div3A_44 : vector<1000x1xf32>
    %add3A_46 = arith.constant 9.99999974E-6 : f32
    %add3A_47 = vector.broadcast %add3A_46 : f32 to vector<1000x1xf32>
    %add3A_48 = arith.addf %div3A_45, %add3A_47 : vector<1000x1xf32>
    %rsqrt3A = math.rsqrt %add3A_48 : vector<1000x1xf32>
    %mul3A_49 = vector.broadcast %rsqrt3A : vector<1000x1xf32> to vector<1000x128xf32>
    %mul3A_50 = arith.mulf %sub3A_39, %mul3A_49 : vector<1000x128xf32>
    %get3A_51 = arith.constant 0 : index
    %get3A_52 = arith.constant 0 : index
    %get3A_53 = vector.load %arg5[%get3A_51, %get3A_52] : memref<1x128xf32, #tpu.memory_space<vmem>>, vector<1x128xf32>
    %mul3A_54 = vector.broadcast %get3A_53 : vector<1x128xf32> to vector<1000x128xf32>
    %mul3A_55 = arith.mulf %mul3A_50, %mul3A_54 : vector<1000x128xf32>
    %get3A_56 = arith.constant 0 : index
    %get3A_57 = arith.constant 0 : index
    %get3A_58 = vector.load %arg6[%get3A_56, %get3A_57] : memref<1x128xf32, #tpu.memory_space<vmem>>, vector<1x128xf32>
    %add3A_59 = vector.broadcast %get3A_58 : vector<1x128xf32> to vector<1000x128xf32>
    %add3A_60 = arith.addf %mul3A_55, %add3A_59 : vector<1000x128xf32>
    %swap3A = arith.constant 0 : index
    %swap3A_61 = arith.constant 0 : index
    %swap3A_62 = vector.load %arg7[%swap3A, %swap3A_61] : memref<1000x128xf32, #tpu.memory_space<vmem>>, vector<1000x128xf32>
    tpu.vector_store %arg7[%swap3A, %swap3A_61], %add3A_60 {strides = array<i32>} : memref<1000x128xf32, #tpu.memory_space<vmem>>, vector<1000x128xf32>,
    return
  }
  func.func @transform_0(%arg0: i32) -> (i32, i32) {
    %c0_i32 = arith.constant 0 : i32
    %c0_i32_0 = arith.constant 0 : i32
    return %arg0, %c0_i32 : i32, i32
  }
  func.func @transform_1(%arg0: i32) -> (i32, i32, i32) {
    %c0_i32 = arith.constant 0 : i32
    %c0_i32_0 = arith.constant 0 : i32
    %c0_i32_1 = arith.constant 0 : i32
    return %c0_i32, %arg0, %c0_i32_0 : i32, i32, i32
  }
  func.func @transform_2(%arg0: i32) -> (i32, i32, i32) {
    %c0_i32 = arith.constant 0 : i32
    %c0_i32_0 = arith.constant 0 : i32
    %c0_i32_1 = arith.constant 0 : i32
    return %c0_i32, %arg0, %c0_i32_0 : i32, i32, i32
  }
  func.func @transform_3(%arg0: i32) -> (i32, i32) {
    %c0_i32 = arith.constant 0 : i32
    %c0_i32_0 = arith.constant 0 : i32
    %c0_i32_1 = arith.constant 0 : i32
    return %c0_i32, %c0_i32_0 : i32, i32
  }
  func.func @transform_4(%arg0: i32) -> (i32, i32) {
    %c0_i32 = arith.constant 0 : i32
    %c0_i32_0 = arith.constant 0 : i32
    %c0_i32_1 = arith.constant 0 : i32
    return %c0_i32, %c0_i32_0 : i32, i32
  }
  func.func @transform_5(%arg0: i32) -> (i32, i32) {
    %c0_i32 = arith.constant 0 : i32
    %c0_i32_0 = arith.constant 0 : i32
    %c0_i32_1 = arith.constant 0 : i32
    return %c0_i32, %c0_i32_0 : i32, i32
  }
  func.func @transform_6(%arg0: i32) -> (i32, i32) {
    %c0_i32 = arith.constant 0 : i32
    %c0_i32_0 = arith.constant 0 : i32
    return %arg0, %c0_i32 : i32, i32
  }
}

</mosaic_0001>

<sc_bundles>
// kernel: kernel.5.cloned.1.call-start
scs
__scs_entry_jumppad:
0x0: {  	(pc) =	sbr.rel $0x88, $3  }
0x1: {  	(tag) =	ssettag $0x0;
	lr =	simm.s32 $0x1  }
0x2: {  	[smem:$0x3F9B] =	sst lr;
	_ =	strace $0xD0000000  }
0x3: {  	_ = 	snop  }
0x4: {  	_ = 	snop  }
0x5: {  	_ = 	snop  }
0x6: {  	_ = 	snop  }
0x7: {  	_ = 	snop  }
__scs_overlays_trampoline_lowered:
0x8: {  	[smem:$0x3FAA] =	sst s0  }
0x9: {  	[smem:$0x3FAB] =	sst s1  }
0xa: {  	[smem:$0x3FAC] =	sst s2  }
0xb: {  	[smem:$0x3FAD] =	sst s3  }
0xc: {  	[smem:$0x3FAE] =	sst s4  }
0xd: {  	[smem:$0x3FAF] =	sst s5  }
0xe: {  	[smem:$0x3FB0] =	sst s6  }
0xf: {  	[smem:$0x3FB1] =	sst s7  }
0x10: {  	[smem:$0x3FB2] =	sst s8  }
0x11: {  	[smem:$0x3FB3] =	sst s9;
	s0 =	simm.s32 @!p0 $0x0  }
0x12: {  	s1 =	sld [smem:$0x3F99];
	s0 =	simm.s32 @p0 $0x1  }
0x13: {  	[smem:$0x3FB4] =	sst s0;
	s0 =	simm.s32 @!p1 $0x0  }
0x14: {  	s2 =	sld [smem:$0x3F98];
	s0 =	simm.s32 @p1 $0x1  }
0x15: {  	[smem:$0x3FB5] =	sst s0;
	s0 =	simm.s32 @!p2 $0x0  }
0x16: {  	s3 =	sld [smem:$0x3FDB];
	s0 =	simm.s32 @p2 $0x1  }
0x17: {  	s4 =	simm.s32 $0x1BF5;
	[smem:$0x3FB7] =	sst s0  }
0x18: {  	s0 =	sld [smem:$0x3F9A];
	_ =	swait.ge [sflag:s4], $0x0  }
0x19: {  	s7 =	sld [smem:$0x3F9B]  }
0x1a: {  	s8 =	sadd.s32 $0xFFFFE003, lr  }
0x1b: {  	s9 =	sadd.s32 $0xFFFFFEF7, lr;
	s5 =	simm.s32 $0xFFFFFFFF;
	p2 =	slt.u32 s8, $0xFFFFF086  }
0x1c: {  	p1 =	slt.u32 s9, $0xF7A;
	s5 =	simm.s32 @!p2 $0x0  }
0x1d: {  	s5 =	simm.s32 @p1 $0x1;
	p0 =	seq.s32 s7, s2  }
0x1e: {  	s7 =	smul.u32 @!p0 $0xF7A, s2;
	p2 =	seq.s32 @!p0 s5, $0x0  }
0x1f: {  	s9 =	smul.u32 $0xF7A, s1;
	s8 =	simm.s32 @!p0 $0x1BF5;
	p2 =	por !p2, p0  }
0x20: {  	[sflag:s8] =	ssyncset.s32 @!p0 $0xFFFFF086;
	s6 =	sadd.s32 @!p0 s3, s7;
	s7 =	simm.s32 @!p0 $0x108  }
0x21: {  	s3 =	sadd.s32 s3, s9;
	s6 =	sadd.s32 @!p0 $0x88, s6;
	s7 =	simm.s32 @p2 $0x1082  }
0x22: {  	[simem:s7], [sflag:s8] =	dma.local @!p0 [hbm:s6], $0xF7A  }
0x23: {  	s9 =	sor.u32 $0xD0000000, s2;
	s6 =	simm.s32 $0x108;
	_ =	swait.ge @!p0 [sflag:s8], $0x0  }
0x24: {  	s3 =	sadd.s32 $0x88, s3;
	s6 =	simm.s32 @!p1 $0x1082;
	[sflag:s4] =	ssyncset.s32 $0xFFFFF086  }
0x25: {  	[simem:s6], [sflag:s4] =	dma.local [hbm:s3], $0xF7A  }
0x26: {  	[smem:$0x3F9B] =	sst s1;
	(tag) =	ssettag s2;
	_ =	strace s9  }
0x27: {  	s1 =	sld [smem:$0x3FAB]  }
0x28: {  	s2 =	sld [smem:$0x3FAC]  }
0x29: {  	s4 =	sld [smem:$0x3FAE]  }
0x2a: {  	p0 =	seq.s32 s5, $0x0;
	s5 =	sld [smem:$0x3FAF]  }
0x2b: {  	s6 =	sld [smem:$0x3FB0]  }
0x2c: {  	s7 =	sld [smem:$0x3FB1]  }
0x2d: {  	s3 =	simm.s32 $0x108;
	s8 =	sld [smem:$0x3FB2]  }
0x2e: {  	s3 =	simm.s32 @!p0 $0x1082;
	s9 =	sld [smem:$0x3FB3]  }
0x2f: {  	lr =	sadd.s32 s0, s3;
	s0 =	sld [smem:$0x3FAA]  }
0x30: {  	s3 =	sld [smem:$0x3FAD]  }
0x31: {  	[smem:$0x3FB6] =	sst s10  }
0x32: {  	s10 =	sld [smem:$0x3FB4];
	_ =	sdelay $0x3  }
0x33: {  	p0 =	seq.s32 s10, $0x1;
	s10 =	sld [smem:$0x3FB6];
	_ =	sdelay $0x3  }
0x34: {  	[smem:$0x3FB6] =	sst s10  }
0x35: {  	s10 =	sld [smem:$0x3FB5];
	_ =	sdelay $0x3  }
0x36: {  	p1 =	seq.s32 s10, $0x1;
	s10 =	sld [smem:$0x3FB6];
	_ =	sdelay $0x3  }
0x37: {  	[smem:$0x3FB6] =	sst s10  }
0x38: {  	s10 =	sld [smem:$0x3FB7]  }
0x39: {  	_ = 	snop;
	(pc) =	sbr.ind lr, $3  }
0x3a: {  	_ = 	snop  }
0x3b: {  	_ = 	snop  }
0x3c: {  	p2 =	seq.s32 s10, $0x1;
	s10 =	sld [smem:$0x3FB6]  }
0x3d: {  	_ =	shalt  }
0x3e: {  	_ =	shalt  }
0x3f: {  	_ =	shalt  }
0x40: {  	_ =	shalt  }
0x41: {  	_ =	shalt  }
0x42: {  	_ =	shalt  }
0x43: {  	_ =	shalt  }
0x44: {  	_ =	shalt  }
0x45: {  	_ =	shalt  }
0x46: {  	_ =	shalt  }
0x47: {  	_ =	shalt  }
0x48: {  	_ =	shalt  }
0x49: {  	_ =	shalt  }
0x4a: {  	_ =	shalt  }
0x4b: {  	_ =	shalt  }
0x4c: {  	_ =	shalt  }
0x4d: {  	_ =	shalt  }
0x4e: {  	_ =	shalt  }
0x4f: {  	_ =	shalt  }
0x50: {  	_ =	shalt  }
0x51: {  	_ =	shalt  }
0x52: {  	_ =	shalt  }
0x53: {  	_ =	shalt  }
0x54: {  	_ =	shalt  }
0x55: {  	_ =	shalt  }
0x56: {  	_ =	shalt  }
0x57: {  	_ =	shalt  }
0x58: {  	_ =	shalt  }
0x59: {  	_ =	shalt  }
0x5a: {  	_ =	shalt  }
0x5b: {  	_ =	shalt  }
0x5c: {  	_ =	shalt  }
0x5d: {  	_ =	shalt  }
0x5e: {  	_ =	shalt  }
0x5f: {  	_ =	shalt  }
0x60: {  	_ =	shalt  }
0x61: {  	_ =	shalt  }
0x62: {  	_ =	shalt  }
0x63: {  	_ =	shalt  }
0x64: {  	_ =	shalt  }
0x65: {  	_ =	shalt  }
0x66: {  	_ =	shalt  }
0x67: {  	_ =	shalt  }
0x68: {  	_ =	shalt  }
0x69: {  	_ =	shalt  }
0x6a: {  	_ =	shalt  }
0x6b: {  	_ =	shalt  }
0x6c: {  	_ =	shalt  }
0x6d: {  	_ =	shalt  }
0x6e: {  	_ =	shalt  }
0x6f: {  	_ =	shalt  }
0x70: {  	_ =	shalt  }
0x71: {  	_ =	shalt  }
0x72: {  	_ =	shalt  }
0x73: {  	_ =	shalt  }
0x74: {  	_ =	shalt  }
0x75: {  	_ =	shalt  }
0x76: {  	_ =	shalt  }
0x77: {  	_ =	shalt  }
0x78: {  	_ =	shalt  }
0x79: {  	_ =	shalt  }
0x7a: {  	_ =	shalt  }
0x7b: {  	_ =	shalt  }
0x7c: {  	_ =	shalt  }
0x7d: {  	_ =	shalt  }
0x7e: {  	_ =	shalt  }
0x7f: {  	_ =	shalt  }
0x80: {  	_ =	shalt  }
0x81: {  	_ =	shalt  }
0x82: {  	_ =	shalt  }
0x83: {  	_ =	shalt  }
0x84: {  	_ =	shalt  }
0x85: {  	_ =	shalt  }
0x86: {  	_ =	shalt  }
0x87: {  	_ =	shalt  }
.Lfunc_end0:
.L_simem_size_0:
called_computation_lowered:
.L_overlay_start_0:
0x88: {  	s2 =	sld [smem:$0x3FD9]  }
0x89: {  	s3 =	sld [smem:$0x3FFE];
	_ =	sdelay $0x1  }
0x8a: {  	s1 =	srdreg.scid  }
0x8b: {  	s0 =	sand.u32 $0x1, s1  }
0x8c: {  	s17 =	sshll.u32 s0, $0xA;
	s2 =	sadd.s32 s3, s2  }
0x8d: {  	s2 =	sadd.s32 s2, s17  }
0x8e: {  	[smem:$0x3FC2] =	sst s2  }
0x8f: {  	_ = 	snop  }
0x90: {  	s2 =	sld [smem:$0x3FC9]  }
0x91: {  	s18 =	sld [smem:$0x3FD0];
	(tm) =	ssettm $0x1  }
0x92: {  	s4 =	sld [smem:$0x3FFB];
	_ =	sdelay $0x3  }
0x93: {  	_ =	strace s4  }
0x94: {  	s4 =	sld [smem:$0x3FFC];
	_ =	sdelay $0x3  }
0x95: {  	_ =	strace s4  }
0x96: {  	s4 =	sld [smem:$0x3FFD];
	_ =	sdelay $0x3  }
0x97: {  	_ =	strace s4  }
0x98: {  	_ =	strace $0x8FFFFFFF  }
0x99: {  	s19 =	sld [smem:$0x3FDB];
	_ =	sdelay $0x1  }
0x9a: {  	s5 =	simm.s32 $_scs_section_size  }
0x9b: {  	s6 =	simm.s32 $_size__tile_overlayer_lowered;
	s7 =	simm.s32 $_tile_overlayer_lowered  }
0x9c: {  	s22 =	simm.s32 $0x1BFF;
	s21 =	sshll.u32 s7, $0x1;
	s4 =	sadd.s32 s5, s19  }
0x9d: {  	s8 =	simm.s32 $0x0;
	s20 =	sshll.u32 s6, $0x1;
	s6 =	sadd.s32 s21, s4  }
0x9e: {  	[timem:s8], [sflag:s22] =	dma.local [hbm:s6], s20  }
0x9f: {  	_ =	swait.ge [sflag:s22], s20  }
0xa0: {  	s5 =	ssub.s32 $0x0, s20;
	[sflag:s22] =	ssyncset.done $0x0  }
0xa1: {  	[sflag:s22] =	ssyncadd.s32 s5;
	_ =	sdelay $0x1  }
0xa2: {  	s23 =	simm.s32 $0x1B8B  }
0xa3: {  	_ =	swait.ge [sflag:s23], $0x1  }
0xa4: {  	[sflag:s23] =	ssyncset.done $0x0  }
0xa5: {  	s25 =	simm.s32 $0x1B8E;
	s24 =	sld [smem:$0x3FFE];
	[sflag:s23] =	ssyncadd.s32 $0xFFFFFFFF  }
0xa6: {  	s26 =	simm.s32 $execute0_lowered;
	[smem:$0x3FD2] =	sst s25  }
0xa7: {  	s6 =	sshll.u32 s26, $0x1;
	_ =	strace $0x80000046;
	[dreg:$0x1] =	wrdreg $0xFFFFFFFF  }
0xa8: {  	s28 =	simm.s32 $_size_execute0_lowered;
	s4 =	sadd.s32 s4, s6;
	[dreg:$0x0] =	wrdreg $0x0  }
0xa9: {  	s6 =	sshll.u32 s28, $0x1;
	[dreg:$0x2] =	wrdreg s4  }
0xaa: {  	[dreg:$0x3] =	wrdreg s6  }
0xab: {  	[dreg:$0x4] =	wrdreg $0xC0  }
0xac: {  	_ =	task [dreg:s8], $0x5FFFF  }
0xad: {  	[dreg:$0x1] =	wrdreg $0xFFFFFFFF  }
0xae: {  	[dreg:$0x0] =	wrdreg $0x60  }
0xaf: {  	[dreg:$0x2] =	wrdreg s2  }
0xb0: {  	[dreg:$0x3] =	wrdreg s18  }
0xb1: {  	[dreg:$0x4] =	wrdreg s24  }
0xb2: {  	[dreg:$0x5] =	wrdreg $0x0  }
0xb3: {  	[dreg:$0x6] =	wrdreg $0x140000  }
0xb4: {  	[dreg:$0x7] =	wrdreg $0x9  }
0xb5: {  	_ =	task.clear_ibuf [dreg:s8], $0x8FFFF;
	_ =	strace $0x90000046  }
0xb6: {  	s29 =	simm.s32 $0x9;
	_ =	strace $0x80000048  }
0xb7: {  	_ =	swait.ge [sflag:s29], $0x1  }
0xb8: {  	[sflag:s29] =	ssyncadd.s32 $0xFFFFFFFF  }
0xb9: {  	_ =	strace $0x90000048  }
0xba: {  	_ =	sfence  }
0xbb: {  	s30 =	sld [smem:$0x0];
	_ =	sdelay $0x2  }
0xbc: {  	s31 =	sshll.u32 s1, $0xD;
	s1 =	sshrl.u32 s1, $0x2  }
0xbd: {  	s3 =	sand.u32 $0x4000, s31;
	s1 =	sadd.s32 s1, s30  }
0xbe: {  	s0 =	sor.u32 s3, s0;
	s1 =	sshll.u32 s1, $0x11  }
0xbf: {  	s0 =	sor.u32 s1, s0  }
0xc0: {  	s0 =	sadd.s32 $0x8F2B, s0  }
0xc1: {  	[sflag:s0] =	ssyncadd.remote.s32 $0x1  }
0xc2: {  	_ =	sfence.sel $0xFFFF  }
0xc3: {  	[dreg:$0x0] =	wrdreg $0xFFFFFFFF;
	(pc) =	sbr.abs _section_cstart, $3  }
0xc4: {  	[dreg:$0x1] =	wrdreg $0xFFFFFFFF  }
0xc5: {  	_ =	task.clear_ibuf [dreg:s8], $0x2FFFF;
	_ =	strace $0x9FFFFFFF  }
0xc6: {  	(tm) =	ssettm $0x7FFFFFFF  }
0xc7: {  	_ =	shalt  }
tec
execute0_lowered:
.L_overlay_start_1:
0x0: {  	(tag) =	ssettag $0x1  }
0x1: {  	s15 =	stileid.u32  }
0x2: {  	s0 =	rddreg [dreg:$0x0];
	s9 =	smul.u32 $0x14000, s15  }
0x3: {  	s1 =	rddreg [dreg:$0x1];
	s10 =	smul.u32 $0x2800, s15  }
0x4: {  	s2 =	rddreg [dreg:$0x2];
	s13 =	smul.u32 $0x280, s15  }
0x5: {  	s3 =	srdreg.scid;
	s22 =	smul.u32 $0x50000, s15  }
0x6: {  	s4 =	rddreg [dreg:$0x3];
	s3 =	sand.u32 $0x1, s3;
	s23 =	smul.u32 $0xA000, s15  }
0x7: {  	s5 =	rddreg [dreg:$0x4];
	s6 =	simm.s32 $0x0;
	s7 =	smul.u32 $0x140000, s3  }
0x8: {  	[smem:$0x7FF] =	sst s6;
	s8 =	smul.u32 $0x28000, s3  }
0x9: {  	_ =	strace $0x80000047;
	s12 =	sshll.u32 s3, $0x4;
	s3 =	ssub.s32 $0x2, s3  }
0xa: {  	s12 =	sor.u32 s15, s12;
	s14 =	sshrl.u32 s3, $0x1;
	s24 =	sshrl.u32 s22, $0x2  }
0xb: {  	s25 =	sor.u32 $0x40, s13;
	s29 =	sadd.s32 $0x80, s13;
	s31 =	sadd.s32 $0xC0, s13  }
0xc: {  	s16 =	sadd.s32 $0x140, s13;
	s18 =	sadd.s32 $0x180, s13;
	s21 =	sadd.s32 $0x1C0, s13  }
0xd: {  	s11 =	sadd.s32 s9, s7;
	s7 =	sadd.s32 $0x1A00, s2;
	s8 =	sadd.s32 s10, s8  }
0xe: {  	s3 =	ssub.s32 s3, s14;
	s9 =	sadd.s32 s9, s4;
	s10 =	sadd.s32 s10, s5  }
0xf: {  	s26 =	sshll.u32 s25, $0x7;
	s30 =	sshll.u32 s29, $0x7;
	s17 =	sshll.u32 s16, $0x7  }
0x10: {  	s19 =	sshll.u32 s18, $0x7;
	s20 =	sshll.u32 s18, $0x4;
	s22 =	sshll.u32 s21, $0x7  }
0x11: {  	s18 =	simm.s32 $0x17240;
	s11 =	sshrl.u32 s11, $0x3;
	s8 =	sshrl.u32 s8, $0x3  }
0x12: {  	s3 =	smax.u32 s3, $0x1;
	s11 =	sadd.s32 s11, s2;
	s2 =	sadd.s32 s8, s2  }
0x13: {  	s8 =	smul.u32 $0x2800, s12;
	[dreg:$0x8] =	wrdreg s3;
	s3 =	sadd.s32 s24, s4  }
0x14: {  	s12 =	sadd.s32 $0x100, s13;
	s24 =	sshll.u32 s21, $0x4;
	s21 =	simm.s32 $0x2  }
0x15: {  	s11 =	sadd.s32 $0x15A00, s11;
	s2 =	sadd.s32 $0xBA00, s2;
	[dreg:$0x9] =	wrdreg s3  }
0x16: {  	s3 =	sshll.u32 s25, $0x4;
	s14 =	sshll.u32 s12, $0x7;
	[dreg:$0x6] =	wrdreg s11  }
0x17: {  	[dreg:$0x7] =	wrdreg s2;
	s2 =	sshrl.u32 s23, $0x2;
	s28 =	sadd.s32 s3, s5  }
0x18: {  	s3 =	sadd.s32 s30, s4;
	s11 =	sshll.u32 s31, $0x4;
	[dreg:$0xc] =	wrdreg s28  }
0x19: {  	s23 =	sadd.s32 $0x200, s13;
	s2 =	sadd.s32 s2, s5;
	[dreg:$0xd] =	wrdreg s3  }
0x1a: {  	s3 =	sshll.u32 s31, $0x7;
	s25 =	sshll.u32 s23, $0x7;
	s28 =	sadd.s32 $0x240, s13  }
0x1b: {  	s13 =	simm.s32 $0x5;
	[dreg:$0xa] =	wrdreg s2;
	s2 =	sadd.s32 s26, s4  }
0x1c: {  	s26 =	sadd.s32 s25, s4;
	s30 =	sshll.u32 s28, $0x7;
	[dreg:$0xb] =	wrdreg s2  }
0x1d: {  	s2 =	sshll.u32 s29, $0x4;
	[dreg:$0x19] =	wrdreg s26;
	s31 =	sadd.s32 s30, s4  }
0x1e: {  	s25 =	simm.s32 $0x171C0;
	s2 =	sadd.s32 s2, s5;
	[dreg:$0x1b] =	wrdreg s31  }
0x1f: {  	s29 =	sshll.u32 s23, $0x4;
	[dreg:$0xe] =	wrdreg s2;
	s2 =	sadd.s32 s3, s4  }
0x20: {  	s3 =	sshll.u32 s12, $0x4;
	[dreg:$0xf] =	wrdreg s2;
	s2 =	sadd.s32 s11, s5  }
0x21: {  	s23 =	simm.s32 $0x6;
	s15 =	sadd.s32 s3, s5;
	[dreg:$0x10] =	wrdreg s2  }
0x22: {  	s12 =	simm.s32 $0x3;
	s3 =	sadd.s32 s17, s4;
	[dreg:$0x12] =	wrdreg s15  }
0x23: {  	s11 =	simm.s32 $0x1BC00;
	s2 =	sadd.s32 s14, s4;
	[dreg:$0x13] =	wrdreg s3  }
0x24: {  	s3 =	sadd.s32 s29, s5;
	[dreg:$0x11] =	wrdreg s2;
	s2 =	sshll.u32 s16, $0x4  }
0x25: {  	s17 =	simm.s32 $0x40;
	[dreg:$0x1a] =	wrdreg s3;
	s2 =	sadd.s32 s2, s5  }
0x26: {  	s14 =	simm.s32 $0x16800;
	[dreg:$0x14] =	wrdreg s2;
	s2 =	sadd.s32 s19, s4  }
0x27: {  	s15 =	simm.s32 $0x7;
	[dreg:$0x15] =	wrdreg s2;
	s2 =	sadd.s32 s20, s5  }
0x28: {  	s16 =	simm.s32 $0x17200;
	[dreg:$0x16] =	wrdreg s2;
	s2 =	sadd.s32 s22, s4  }
0x29: {  	s19 =	simm.s32 $0x19C00;
	[dreg:$0x17] =	wrdreg s2;
	s2 =	sadd.s32 s24, s5  }
0x2a: {  	s20 =	simm.s32 $0x1;
	[dreg:$0x18] =	wrdreg s2;
	s2 =	sshll.u32 s28, $0x4  }
0x2b: {  	s22 =	simm.s32 $0x4;
	s24 =	simm.s32 $0x17180;
	s3 =	sadd.s32 s2, s5  }
0x2c: {  	v0 =	vimm.f32 $0.0e+00;
	v1 =	vimm.f32 $1.000000000e+00;
	s2 =	sshrl.u32 s9, $0x3;
	s9 =	sshrl.u32 s10, $0x3;
	s10 =	simm.s32 $0x17C00  }
.LBB2_1:
0x2d: {  	s26 =	simm.s32 $0x17C40  }
0x2e: {  	[tilespmem:s26+$0xFFFFFFD0] =	vst v0  }
0x2f: {  	[tilespmem:s26+$0xFFFFFFE0] =	vst v0  }
0x30: {  	[tilespmem:s26+$0xFFFFFFF0] =	vst v0  }
0x31: {  	[tilespmem:s26+$0x0] =	vst v0  }
0x32: {  	[tilespmem:s26+$0x10] =	vst v0  }
0x33: {  	[tilespmem:s26+$0x20] =	vst v0  }
0x34: {  	[tilespmem:s26+$0x30] =	vst v0  }
0x35: {  	s29 =	simm.s32 $0x0;
	s28 =	simm.s32 $0x40;
	[tilespmem:s26+$0xFFFFFFC0] =	vst v0  }
.LBB2_2:
0x36: {  	p0 =	sne.s32 s28, $0xFC0;
	[tilespmem:s29+$0x1BC00] =	vst v0;
	s26 =	sadd.s32 $0x80, s26  }
0x37: {  	[tilespmem:s26+$0xFFFFFFD0] =	vst v0  }
0x38: {  	[tilespmem:s26+$0xFFFFFFE0] =	vst v0  }
0x39: {  	[tilespmem:s26+$0xFFFFFFF0] =	vst v0  }
.Ltmp0:
0x3a: {  	[tilespmem:s26+$0x0] =	vst v0;
	(pc) =	sbr.rel @p0 .LBB2_2-.Ltmp0, $4  }
0x3b: {  	[tilespmem:s26+$0x10] =	vst v0  }
0x3c: {  	[tilespmem:s26+$0x20] =	vst v0  }
0x3d: {  	[tilespmem:s26+$0x30] =	vst v0  }
0x3e: {  	s29 =	sshra.s32 s28, $0x2;
	s28 =	sadd.s32 $0x40, s28;
	[tilespmem:s26+$0xFFFFFFC0] =	vst v0  }
0x3f: {  	[tilespmem:s29+$0x1BC00] =	vst v0;
	s26 =	rddreg [dreg:$0x9]  }
0x40: {  	[spmem:s26] =	stream.linear.scatter [tilespmem:s10], [sflag:$0x3], $0x2000, $0x38;
	[tilespmem:$0x1C000] =	vst v63  }
0x41: {  	s29 =	rddreg [dreg:$0xa]  }
0x42: {  	[spmem:s29] =	stream.linear.scatter [tilespmem:s11], [sflag:$0x5], $0x400, $0x38;
	[tilespmem:$0x1C000] =	vst v63  }
0x43: {  	s30 =	rddreg [dreg:$0xb]  }
0x44: {  	[spmem:s30] =	stream.linear.scatter [tilespmem:s10], [sflag:$0x3], $0x2000, $0x38;
	[tilespmem:$0x1C000] =	vst v63  }
0x45: {  	s31 =	rddreg [dreg:$0xc]  }
0x46: {  	[spmem:s31] =	stream.linear.scatter [tilespmem:s11], [sflag:$0x5], $0x400, $0x38;
	[tilespmem:$0x1C000] =	vst v63  }
0x47: {  	s29 =	rddreg [dreg:$0xd]  }
0x48: {  	[spmem:s29] =	stream.linear.scatter [tilespmem:s10], [sflag:$0x3], $0x2000, $0x38;
	[tilespmem:$0x1C000] =	vst v63  }
0x49: {  	s30 =	rddreg [dreg:$0xe]  }
0x4a: {  	[spmem:s30] =	stream.linear.scatter [tilespmem:s11], [sflag:$0x5], $0x400, $0x38;
	[tilespmem:$0x1C000] =	vst v63  }
0x4b: {  	s31 =	rddreg [dreg:$0xf]  }
0x4c: {  	[spmem:s31] =	stream.linear.scatter [tilespmem:s10], [sflag:$0x3], $0x2000, $0x38;
	[tilespmem:$0x1C000] =	vst v63  }
0x4d: {  	s29 =	rddreg [dreg:$0x10]  }
0x4e: {  	[spmem:s29] =	stream.linear.scatter [tilespmem:s11], [sflag:$0x5], $0x400, $0x38;
	[tilespmem:$0x1C000] =	vst v63  }
0x4f: {  	s30 =	rddreg [dreg:$0x11]  }
0x50: {  	[spmem:s30] =	stream.linear.scatter [tilespmem:s10], [sflag:$0x3], $0x2000, $0x38;
	[tilespmem:$0x1C000] =	vst v63  }
0x51: {  	s31 =	rddreg [dreg:$0x12]  }
0x52: {  	[spmem:s31] =	stream.linear.scatter [tilespmem:s11], [sflag:$0x5], $0x400, $0x38;
	[tilespmem:$0x1C000] =	vst v63  }
0x53: {  	s29 =	rddreg [dreg:$0x13]  }
0x54: {  	[spmem:s29] =	stream.linear.scatter [tilespmem:s10], [sflag:$0x3], $0x2000, $0x38;
	[tilespmem:$0x1C000] =	vst v63  }
0x55: {  	s30 =	rddreg [dreg:$0x14]  }
0x56: {  	[spmem:s30] =	stream.linear.scatter [tilespmem:s11], [sflag:$0x5], $0x400, $0x38;
	[tilespmem:$0x1C000] =	vst v63  }
0x57: {  	s31 =	rddreg [dreg:$0x15]  }
0x58: {  	[spmem:s31] =	stream.linear.scatter [tilespmem:s10], [sflag:$0x3], $0x2000, $0x38;
	[tilespmem:$0x1C000] =	vst v63  }
0x59: {  	s29 =	rddreg [dreg:$0x16]  }
0x5a: {  	[spmem:s29] =	stream.linear.scatter [tilespmem:s11], [sflag:$0x5], $0x400, $0x38;
	[tilespmem:$0x1C000] =	vst v63  }
0x5b: {  	s30 =	rddreg [dreg:$0x17]  }
0x5c: {  	[spmem:s30] =	stream.linear.scatter [tilespmem:s10], [sflag:$0x3], $0x2000, $0x38;
	[tilespmem:$0x1C000] =	vst v63  }
0x5d: {  	s31 =	rddreg [dreg:$0x18]  }
0x5e: {  	[spmem:s31] =	stream.linear.scatter [tilespmem:s11], [sflag:$0x5], $0x400, $0x38;
	[tilespmem:$0x1C000] =	vst v63  }
0x5f: {  	s29 =	rddreg [dreg:$0x19]  }
0x60: {  	[spmem:s29] =	stream.linear.scatter [tilespmem:s10], [sflag:$0x3], $0x2000, $0x38;
	[tilespmem:$0x1C000] =	vst v63  }
0x61: {  	s30 =	rddreg [dreg:$0x1a]  }
0x62: {  	[spmem:s30] =	stream.linear.scatter [tilespmem:s11], [sflag:$0x5], $0x400, $0x38;
	[tilespmem:$0x1C000] =	vst v63  }
0x63: {  	s31 =	rddreg [dreg:$0x1b]  }
0x64: {  	[spmem:s31] =	stream.linear.scatter [tilespmem:s10], [sflag:$0x3], $0x2000, $0x38;
	[tilespmem:$0x1C000] =	vst v63  }
0x65: {  	_ = 	snop  }
0x66: {  	[spmem:s3] =	stream.linear.scatter [tilespmem:s11], [sflag:$0x5], $0x400, $0x38;
	[tilespmem:$0x1C000] =	vst v63  }
0x67: {  	_ =	swait.ge [sflag:s12], $0x2000  }
0x68: {  	[sflag:s12] =	ssyncset.done $0x0  }
0x69: {  	[sflag:s12] =	ssyncadd.s32 $0xFFFFE000  }
0x6a: {  	_ =	swait.ge [sflag:s13], $0x400  }
0x6b: {  	[sflag:s13] =	ssyncset.done $0x0  }
0x6c: {  	[sflag:s13] =	ssyncadd.s32 $0xFFFFFC00  }
0x6d: {  	_ =	swait.ge [sflag:s12], $0x2000  }
0x6e: {  	[sflag:s12] =	ssyncset.done $0x0  }
0x6f: {  	[sflag:s12] =	ssyncadd.s32 $0xFFFFE000  }
0x70: {  	_ =	swait.ge [sflag:s13], $0x400  }
0x71: {  	[sflag:s13] =	ssyncset.done $0x0  }
0x72: {  	[sflag:s13] =	ssyncadd.s32 $0xFFFFFC00  }
0x73: {  	_ =	swait.ge [sflag:s12], $0x2000  }
0x74: {  	[sflag:s12] =	ssyncset.done $0x0  }
0x75: {  	[sflag:s12] =	ssyncadd.s32 $0xFFFFE000  }
0x76: {  	_ =	swait.ge [sflag:s13], $0x400  }
0x77: {  	[sflag:s13] =	ssyncset.done $0x0  }
0x78: {  	[sflag:s13] =	ssyncadd.s32 $0xFFFFFC00  }
0x79: {  	_ =	swait.ge [sflag:s12], $0x2000  }
0x7a: {  	[sflag:s12] =	ssyncset.done $0x0  }
0x7b: {  	[sflag:s12] =	ssyncadd.s32 $0xFFFFE000  }
0x7c: {  	_ =	swait.ge [sflag:s13], $0x400  }
0x7d: {  	[sflag:s13] =	ssyncset.done $0x0  }
0x7e: {  	[sflag:s13] =	ssyncadd.s32 $0xFFFFFC00  }
0x7f: {  	_ =	swait.ge [sflag:s12], $0x2000  }
0x80: {  	[sflag:s12] =	ssyncset.done $0x0  }
0x81: {  	[sflag:s12] =	ssyncadd.s32 $0xFFFFE000  }
0x82: {  	_ =	swait.ge [sflag:s13], $0x400  }
0x83: {  	[sflag:s13] =	ssyncset.done $0x0  }
0x84: {  	[sflag:s13] =	ssyncadd.s32 $0xFFFFFC00  }
0x85: {  	_ =	swait.ge [sflag:s12], $0x2000  }
0x86: {  	[sflag:s12] =	ssyncset.done $0x0  }
0x87: {  	[sflag:s12] =	ssyncadd.s32 $0xFFFFE000  }
0x88: {  	_ =	swait.ge [sflag:s13], $0x400  }
0x89: {  	[sflag:s13] =	ssyncset.done $0x0  }
0x8a: {  	[sflag:s13] =	ssyncadd.s32 $0xFFFFFC00  }
0x8b: {  	_ =	swait.ge [sflag:s12], $0x2000  }
0x8c: {  	[sflag:s12] =	ssyncset.done $0x0  }
0x8d: {  	[sflag:s12] =	ssyncadd.s32 $0xFFFFE000  }
0x8e: {  	_ =	swait.ge [sflag:s13], $0x400  }
0x8f: {  	[sflag:s13] =	ssyncset.done $0x0  }
0x90: {  	[sflag:s13] =	ssyncadd.s32 $0xFFFFFC00  }
0x91: {  	_ =	swait.ge [sflag:s12], $0x2000  }
0x92: {  	[sflag:s12] =	ssyncset.done $0x0  }
0x93: {  	[sflag:s12] =	ssyncadd.s32 $0xFFFFE000  }
0x94: {  	_ =	swait.ge [sflag:s13], $0x400  }
0x95: {  	[sflag:s13] =	ssyncset.done $0x0  }
0x96: {  	[sflag:s13] =	ssyncadd.s32 $0xFFFFFC00  }
0x97: {  	_ =	swait.ge [sflag:s12], $0x2000  }
0x98: {  	[sflag:s12] =	ssyncset.done $0x0  }
0x99: {  	[sflag:s12] =	ssyncadd.s32 $0xFFFFE000  }
0x9a: {  	_ =	swait.ge [sflag:s13], $0x400  }
0x9b: {  	[sflag:s13] =	ssyncset.done $0x0  }
0x9c: {  	[sflag:s13] =	ssyncadd.s32 $0xFFFFFC00  }
0x9d: {  	_ =	swait.ge [sflag:s12], $0x2000  }
0x9e: {  	[sflag:s12] =	ssyncset.done $0x0  }
0x9f: {  	[sflag:s12] =	ssyncadd.s32 $0xFFFFE000  }
0xa0: {  	_ =	swait.ge [sflag:s13], $0x400  }
0xa1: {  	[sflag:s13] =	ssyncset.done $0x0  }
0xa2: {  	s28 =	simm.s32 $0x0;
	s26 =	simm.s32 $0x40;
	[sflag:s13] =	ssyncadd.s32 $0xFFFFFC00  }
.LBB2_4:
0xa3: {  	p0 =	sne.s32 s26, $0xFC0;
	[tilespmem:s28+$0x1BC00] =	vst v1;
	s28 =	smov.u32 s26;
	s26 =	sadd.s32 $0x40, s26  }
.Ltmp1:
0xa4: {  	(pc) =	sbr.rel @p0 .LBB2_4-.Ltmp1, $2  }
0xa5: {  	_ =	sdelay $0x2  }
0xa6: {  	s28 =	sshra.s32 s28, $0x2  }
0xa7: {  	[tilespmem:s28+$0x1BC00] =	vst v1  }
0xa8: {  	s26 =	simm.s32 $0x0;
	s28 =	simm.s32 $0x0;
	[bflag:$0x0] =	sbarrier.arrive $0xFFFF  }
.LBB2_6:
0xa9: {  	s29 =	smul.u32 $0xA00, s28;
	_ =	sdelay $0x1  }
0xaa: {  	s29 =	sadd.s32 s8, s29  }
0xab: {  	s29 =	sshrl.u32 s29, $0x3  }
0xac: {  	s30 =	sadd.s32 s1, s29  }
0xad: {  	[tilespmem:s14], [sflag:$0x7] =	stream.linear.gather [hbm4b:s30+s26], $0xA00, $0x38;
	[tilespmem:$0x1C000] =	vst v63  }
0xae: {  	_ =	swait.ge [sflag:s15], $0xA00  }
0xaf: {  	[sflag:s15] =	ssyncset.done $0x0  }
0xb0: {  	s29 =	sadd.s32 s7, s29;
	[sflag:s15] =	ssyncadd.s32 $0xFFFFF600  }
0xb1: {  	[tilespmem:s16], [sflag:$0x7] =	stream.linear.gather [hbm4b:s29+s26], $0xA00, $0x38;
	[tilespmem:$0x1C000] =	vst v63  }
0xb2: {  	_ =	swait.ge [sflag:s15], $0xA00  }
0xb3: {  	[sflag:s15] =	ssyncset.done $0x0  }
0xb4: {  	[sflag:s15] =	ssyncadd.s32 $0xFFFFF600  }
0xb5: {  	[tilespmem:s10], [sflag:$0x1] =	stream.indirect.gather [hbm4b:s0+s17], $0x80, s16, s17, $0xb8;
	[tilespmem:$0x1C000] =	vst v63  }
0xb6: {  	_ = 	snop  }
0xb7: {  	[tilespmem:s19], [sflag:$0x2] =	stream.indirect.gather [hbm4b:s0+s17], $0x80, s18, s17, $0xb8;
	[tilespmem:$0x1C000] =	vst v63  }
0xb8: {  	_ =	swait.ge [sflag:s20], $0x2000  }
0xb9: {  	[sflag:s20] =	ssyncset.done $0x0  }
0xba: {  	s29 =	simm.s32 $0x16800;
	[sflag:s20] =	ssyncadd.s32 $0xFFFFE000  }
0xbb: {  	[spmem:s4] =	stream.indirect.scatter.add.f32 [tilespmem:s10], [sflag:$0x3], $0x80, s29, s17, $0xb8;
	[tilespmem:$0x1C000] =	vst v63  }
0xbc: {  	_ = 	snop  }
0xbd: {  	[spmem:s5] =	stream.indirect.scatter.add.f32 [tilespmem:s11], [sflag:$0x5], $0x10, s29, s17, $0xb8;
	[tilespmem:$0x1C000] =	vst v63  }
0xbe: {  	_ =	swait.ge [sflag:s12], $0x2000  }
0xbf: {  	[sflag:s12] =	ssyncset.done $0x0  }
0xc0: {  	[sflag:s12] =	ssyncadd.s32 $0xFFFFE000  }
0xc1: {  	_ =	swait.ge [sflag:s13], $0x400  }
0xc2: {  	[sflag:s13] =	ssyncset.done $0x0  }
0xc3: {  	s29 =	simm.s32 $0x17280;
	[sflag:s13] =	ssyncadd.s32 $0xFFFFFC00  }
0xc4: {  	[tilespmem:s10], [sflag:$0x1] =	stream.indirect.gather [hbm4b:s0+s17], $0x80, s29, s17, $0xb8;
	[tilespmem:$0x1C000] =	vst v63  }
0xc5: {  	_ =	swait.ge [sflag:s21], $0x2000  }
0xc6: {  	[sflag:s21] =	ssyncset.done $0x0  }
0xc7: {  	s29 =	simm.s32 $0x16840;
	[sflag:s21] =	ssyncadd.s32 $0xFFFFE000  }
0xc8: {  	[spmem:s4] =	stream.indirect.scatter.add.f32 [tilespmem:s19], [sflag:$0x4], $0x80, s29, s17, $0xb8;
	[tilespmem:$0x1C000] =	vst v63  }
0xc9: {  	_ = 	snop  }
0xca: {  	[spmem:s5] =	stream.indirect.scatter.add.f32 [tilespmem:s11], [sflag:$0x6], $0x10, s29, s17, $0xb8;
	[tilespmem:$0x1C000] =	vst v63  }
0xcb: {  	_ =	swait.ge [sflag:s22], $0x2000  }
0xcc: {  	[sflag:s22] =	ssyncset.done $0x0  }
0xcd: {  	[sflag:s22] =	ssyncadd.s32 $0xFFFFE000  }
0xce: {  	_ =	swait.ge [sflag:s23], $0x400  }
0xcf: {  	[sflag:s23] =	ssyncset.done $0x0  }
0xd0: {  	s30 =	simm.s32 $0x172C0;
	s29 =	simm.s32 $0x200;
	[sflag:s23] =	ssyncadd.s32 $0xFFFFFC00  }
.LBB2_7:
0xd1: {  	[tilespmem:s19], [sflag:$0x2] =	stream.indirect.gather [hbm4b:s0+s17], $0x80, s30, s17, $0xb8;
	[tilespmem:$0x1C000] =	vst v63  }
0xd2: {  	s30 =	smov.u32 s29  }
0xd3: {  	p0 =	sne.s32 s29, $0x2400;
	s29 =	sadd.s32 $0x200, s29;
	_ =	swait.ge [sflag:s20], $0x2000  }
0xd4: {  	s30 =	sshra.s32 s30, $0x2;
	[sflag:s20] =	ssyncset.done $0x0  }
0xd5: {  	s31 =	sadd.s32 $0x16800, s30;
	[sflag:s20] =	ssyncadd.s32 $0xFFFFE000  }
0xd6: {  	[spmem:s4] =	stream.indirect.scatter.add.f32 [tilespmem:s10], [sflag:$0x3], $0x80, s31, s17, $0xb8;
	[tilespmem:$0x1C000] =	vst v63  }
0xd7: {  	_ = 	snop  }
0xd8: {  	[spmem:s5] =	stream.indirect.scatter.add.f32 [tilespmem:s11], [sflag:$0x5], $0x10, s31, s17, $0xb8;
	[tilespmem:$0x1C000] =	vst v63  }
0xd9: {  	_ =	swait.ge [sflag:s12], $0x2000  }
0xda: {  	[sflag:s12] =	ssyncset.done $0x0  }
0xdb: {  	[sflag:s12] =	ssyncadd.s32 $0xFFFFE000  }
0xdc: {  	_ =	swait.ge [sflag:s13], $0x400  }
0xdd: {  	[sflag:s13] =	ssyncset.done $0x0  }
0xde: {  	s31 =	sadd.s32 $0x17280, s30;
	[sflag:s13] =	ssyncadd.s32 $0xFFFFFC00  }
0xdf: {  	[tilespmem:s10], [sflag:$0x1] =	stream.indirect.gather [hbm4b:s0+s17], $0x80, s31, s17, $0xb8;
	[tilespmem:$0x1C000] =	vst v63  }
0xe0: {  	_ =	swait.ge [sflag:s21], $0x2000  }
0xe1: {  	[sflag:s21] =	ssyncset.done $0x0  }
0xe2: {  	s31 =	sadd.s32 $0x16840, s30;
	[sflag:s21] =	ssyncadd.s32 $0xFFFFE000  }
0xe3: {  	[spmem:s4] =	stream.indirect.scatter.add.f32 [tilespmem:s19], [sflag:$0x4], $0x80, s31, s17, $0xb8;
	[tilespmem:$0x1C000] =	vst v63  }
0xe4: {  	_ = 	snop  }
0xe5: {  	[spmem:s5] =	stream.indirect.scatter.add.f32 [tilespmem:s11], [sflag:$0x6], $0x10, s31, s17, $0xb8;
	[tilespmem:$0x1C000] =	vst v63  }
0xe6: {  	_ =	swait.ge [sflag:s22], $0x2000  }
.Ltmp2:
0xe7: {  	[sflag:s22] =	ssyncset.done $0x0;
	(pc) =	sbr.rel @p0 .LBB2_7-.Ltmp2, $4  }
0xe8: {  	[sflag:s22] =	ssyncadd.s32 $0xFFFFE000  }
0xe9: {  	_ =	swait.ge [sflag:s23], $0x400  }
0xea: {  	[sflag:s23] =	ssyncset.done $0x0  }
0xeb: {  	s30 =	sadd.s32 $0x172C0, s30;
	[sflag:s23] =	ssyncadd.s32 $0xFFFFFC00  }
0xec: {  	[tilespmem:s19], [sflag:$0x2] =	stream.indirect.gather [hbm4b:s0+s17], $0x80, s30, s17, $0xb8;
	[tilespmem:$0x1C000] =	vst v63  }
0xed: {  	_ =	swait.ge [sflag:s20], $0x2000  }
0xee: {  	[sflag:s20] =	ssyncset.done $0x0  }
0xef: {  	[sflag:s20] =	ssyncadd.s32 $0xFFFFE000  }
0xf0: {  	[spmem:s4] =	stream.indirect.scatter.add.f32 [tilespmem:s10], [sflag:$0x3], $0x80, s24, s17, $0xb8;
	[tilespmem:$0x1C000] =	vst v63  }
0xf1: {  	_ = 	snop  }
0xf2: {  	[spmem:s5] =	stream.indirect.scatter.add.f32 [tilespmem:s11], [sflag:$0x5], $0x10, s24, s17, $0xb8;
	[tilespmem:$0x1C000] =	vst v63  }
0xf3: {  	_ =	swait.ge [sflag:s21], $0x2000  }
0xf4: {  	[sflag:s21] =	ssyncset.done $0x0  }
0xf5: {  	[sflag:s21] =	ssyncadd.s32 $0xFFFFE000  }
0xf6: {  	[spmem:s4] =	stream.indirect.scatter.add.f32 [tilespmem:s19], [sflag:$0x4], $0x80, s25, s17, $0xb8;
	[tilespmem:$0x1C000] =	vst v63  }
0xf7: {  	_ = 	snop  }
0xf8: {  	[spmem:s5] =	stream.indirect.scatter.add.f32 [tilespmem:s11], [sflag:$0x6], $0x10, s25, s17, $0xb8;
	[tilespmem:$0x1C000] =	vst v63  }
0xf9: {  	_ =	swait.ge [sflag:s12], $0x2000  }
0xfa: {  	[sflag:s12] =	ssyncset.done $0x0  }
0xfb: {  	[sflag:s12] =	ssyncadd.s32 $0xFFFFE000  }
0xfc: {  	_ =	swait.ge [sflag:s13], $0x400  }
0xfd: {  	[sflag:s13] =	ssyncset.done $0x0  }
0xfe: {  	s28 =	sadd.s32 $0x1, s28;
	[sflag:s13] =	ssyncadd.s32 $0xFFFFFC00  }
0xff: {  	p0 =	sne.s32 s28, $0x4;
	_ =	swait.ge [sflag:s22], $0x2000  }
.Ltmp3:
0x100: {  	[sflag:s22] =	ssyncset.done $0x0;
	(pc) =	sbr.rel @p0 .LBB2_6-.Ltmp3, $4  }
0x101: {  	[sflag:s22] =	ssyncadd.s32 $0xFFFFE000  }
0x102: {  	_ =	swait.ge [sflag:s23], $0x400  }
0x103: {  	[sflag:s23] =	ssyncset.done $0x0  }
0x104: {  	[sflag:s23] =	ssyncadd.s32 $0xFFFFFC00  }
0x105: {  	s26 =	stileid.u32  }
0x106: {  	[bflag:$0x0] =	sbarrier.arrive $0xFFFF;
	s26 =	sshll.u32 s26, $0x6  }
0x107: {  	s28 =	rddreg [dreg:$0x6];
	s26 =	sor.u32 $0x1C07, s26  }
0x108: {  	[hbm:s28], [sflag:s26] =	dma.local [spmem:s2], $0x2800  }
0x109: {  	_ =	swait.ge [sflag:s15], $0x2800  }
0x10a: {  	[sflag:s15] =	ssyncset.done $0x0  }
0x10b: {  	s30 =	rddreg [dreg:$0x7];
	[sflag:s15] =	ssyncadd.s32 $0xFFFFD800  }
0x10c: {  	[hbm:s30], [sflag:s26] =	dma.local [spmem:s9], $0x500  }
0x10d: {  	_ =	swait.ge [sflag:s15], $0x500  }
0x10e: {  	s6 =	sadd.s32 $0x1, s6;
	s31 =	rddreg [dreg:$0x8]  }
0x10f: {  	p0 =	sne.s32 s6, s31  }
.Ltmp4:
0x110: {  	_ = 	snop;
	(pc) =	sbr.rel @p0 .LBB2_1-.Ltmp4, $3  }
0x111: {  	_ =	sdelay $0x1  }
0x112: {  	[sflag:s15] =	ssyncset.done $0x0  }
0x113: {  	[sflag:s15] =	ssyncadd.s32 $0xFFFFFB00  }
0x114: {  	_ =	sfence.sel $0x180000  }
0x115: {  	[bflag:$0x0] =	sbarrier.arrive $0xFFFF  }
0x116: {  	_ =	strace $0x90000047  }
0x117: {  	s0 =	stileid.u32;
	[bflag:$0x2] =	sbarrier.arrive $0xFFFF  }
0x118: {  	p0 =	sne.s32 s0, $0x0;
	s0 =	rddreg [dreg:$0x5]  }
0x119: {  	s0 =	sadd.s32 @!p0 $0x100000, s0  }
0x11a: {  	[sflag:s0] =	ssyncadd.tile.s32 @!p0 $0x1;
	_ =	shalt  }
.Lfunc_end2:
_tile_overlayer_lowered:
.L_overlay_start_2:
0x11b: {  	(tag) =	ssettag $0x2  }
0x11c: {  	s0 =	rddreg [dreg:$0x0];
	s2 =	stileid.u32  }
0x11d: {  	s1 =	rddreg [dreg:$0x1];
	p0 =	sne.s32 s2, $0x0  }
0x11e: {  	s3 =	rddreg [dreg:$0x2];
	[bflag:$0x3] =	sbarrier.arrive $0xFFFF;
	s2 =	simm.s32 @!p0 $0x1C07  }
0x11f: {  	[timem:s3], [sflag:s2] =	dma.local @!p0 [hbm:s0], s1  }
0x120: {  	s0 =	simm.s32 @!p0 $0x7  }
0x121: {  	_ =	swait.ge @!p0 [sflag:s0], s1  }
0x122: {  	s1 =	ssub.s32 @!p0 $0x0, s1;
	[sflag:s0] =	ssyncset.done @!p0 $0x0  }
0x123: {  	[sflag:s0] =	ssyncadd.s32 @!p0 s1  }
0x124: {  	[bflag:$0x3] =	sbarrier.arrive $0xFFFF  }
0x125: {  	_ =	shalt  }

</sc_bundles>
